<compile_context>
chip_gen: v7x
topology: tpu7x:2x2x1
jax: 0.10.2.dev20260603
libtpu: 0.0.44.dev20260713+nightly
codegen_flags: <defaults>
</compile_context>

<pallas_src>
import functools

import jax
import jax.numpy as jnp
from jax import lax
from jax.experimental import pallas as pl
from jax.experimental.pallas import tpu as pltpu
from jax.experimental.pallas import tpu_sc as plsc

B, T, D = 16, 2048, 256
VOCAB = 100000

_NC = 2
_NS = 16
_NW = _NC * _NS
_N_IDX = B * T
_CHUNK = _N_IDX // _NW
_SUB = 8
_SUBW = _CHUNK // _SUB


def _sc_gather(weights, idx3):
    mesh = plsc.VectorSubcoreMesh(core_axis_name="c", subcore_axis_name="s")
    nw, sub, subw = idx3.shape

    @functools.partial(
        pl.kernel,
        mesh=mesh,
        out_type=jax.ShapeDtypeStruct((nw, sub, subw), jnp.float32),
        scratch_types=[
            pltpu.VMEM((sub, subw), jnp.int32),
            pltpu.VMEM((sub, subw), jnp.float32),
            pltpu.SemaphoreType.DMA,
            pltpu.SemaphoreType.DMA,
            pltpu.SemaphoreType.DMA,
        ],
        compiler_params=pltpu.CompilerParams(needs_layout_passes=False),
    )
    def gather_kernel(w_hbm, idx_hbm, out_hbm, idx_v, rows_v,
                      sem_i, sem_g, sem_o):
        wid = lax.axis_index("s") * _NC + lax.axis_index("c")
        icps = [
            pltpu.async_copy(idx_hbm.at[wid, j], idx_v.at[j], sem_i)
            for j in range(sub)
        ]
        gcps = []
        for j in range(sub):
            icps[j].wait()
            gcps.append(
                pltpu.async_copy(w_hbm.at[idx_v.at[j]], rows_v.at[j], sem_g))
        ocps = []
        for j in range(sub):
            gcps[j].wait()
            ocps.append(
                pltpu.async_copy(rows_v.at[j], out_hbm.at[wid, j], sem_o))
        for o in ocps:
            o.wait()

    return gather_kernel(weights, idx3)


_NROW = 4
_GB = B // _NROW


def _one_row(length, vs, w_row_raw, y_ref, yh_ref):
    pos = lax.broadcasted_iota(jnp.int32, (1, T), 1)
    maskf = (pos < length).astype(jnp.float32)
    w_row = w_row_raw * maskf
    a = jnp.concatenate([maskf, w_row], axis=0)
    acc = jnp.dot(a, vs, preferred_element_type=jnp.float32)
    s = acc[0:1, :]
    denom = jnp.sqrt(jnp.sum(jnp.abs(s)))
    y_ref[0, :, :] = s / denom
    yh_ref[0, :, :] = acc[1:2, :]


def _tc_body(len_ref, *refs):
    vs_refs = refs[:_NROW]
    w_refs = refs[_NROW:2 * _NROW]
    y_refs = refs[2 * _NROW:3 * _NROW]
    yh_refs = refs[3 * _NROW:]
    b = pl.program_id(0)
    for k in range(_NROW):
        _one_row(len_ref[b + k * _GB], vs_refs[k][0], w_refs[k][0],
                 y_refs[k], yh_refs[k])


def kernel(vector_sequence, sentence_length, word_sequence, weights):
    idx3 = word_sequence.astype(jnp.int32).reshape(_NW, _SUB, _SUBW)
    w_tok = _sc_gather(weights, idx3)
    w3 = w_tok.reshape(B, 1, T)
    lens = sentence_length.astype(jnp.int32)

    def _off(k):
        return lambda b: (b + k * _GB, 0, 0)

    vs_specs = [pl.BlockSpec((1, T, D), _off(k)) for k in range(_NROW)]
    w_specs = [pl.BlockSpec((1, 1, T), _off(k)) for k in range(_NROW)]
    out_spec = pl.BlockSpec((1, 1, D), lambda b: (b, 0, 0))
    out_ty = jax.ShapeDtypeStruct((_GB, 1, D), jnp.float32)
    outs = pl.pallas_call(
        _tc_body,
        grid=(_GB,),
        in_specs=[
            pl.BlockSpec(memory_space=pltpu.SMEM),
            *vs_specs,
            *w_specs,
        ],
        out_specs=[out_spec] * (2 * _NROW),
        out_shape=[out_ty] * (2 * _NROW),
    )(lens, *([vector_sequence] * _NROW), *([w3] * _NROW))
    y = jnp.concatenate(outs[:_NROW], axis=0).reshape(B, D)
    y_hat = jnp.concatenate(outs[_NROW:], axis=0).reshape(B, D)
    return y, y_hat

# --- scband reference (transcript-rebuilt; emitter-appended) ---
"""Pipeline reference for scband-vector-unpack-46608985096504 (READ-ONLY COPY).

The authoritative reference and input builder live on the scoring server;
editing this copy changes nothing except your own understanding.
"""

import jax, jax.numpy as jnp
import numpy as np

B, T, D = 16, 2048, 256
VOCAB = 100000

def setup_inputs(seed: int = 0) -> dict:
    key = jax.random.key(seed)
    k1, k2, k3, k4 = jax.random.split(key, 4)
    vector_sequence = jax.random.normal(k1, (B, T, D), dtype=jnp.float32)
    # lengths in [1, T] to avoid zero-length (division by zero) sentences
    sentence_length = jax.random.randint(k2, (B,), 1, T + 1).astype(jnp.int64)
    word_sequence = jax.random.randint(k3, (B, T), 0, VOCAB).astype(jnp.int64)
    # learned per-vocab scalar weights, uniform in (-0.1, 0.1) like the torch init
    weights = 0.1 - 0.2 * jax.random.uniform(k4, (VOCAB,), dtype=jnp.float32)
    return {
        "vector_sequence": vector_sequence,
        "sentence_length": sentence_length,
        "word_sequence": word_sequence,
        "weights": weights,
    }

def reference(vector_sequence, sentence_length, word_sequence, weights):
    # mask out padding positions (torch does in-place vector_sequence[i, len:, :] = 0)
    pos = jnp.arange(T)[None, :]                          # [1, T]
    mask = (pos < sentence_length[:, None])               # [B, T] bool
    vs = vector_sequence * mask[:, :, None].astype(vector_sequence.dtype)
    # y = sum_t vs / sqrt(sum_d |sum_t vs|)
    s = jnp.sum(vs, axis=1)                               # [B, D]
    denom = jnp.sqrt(jnp.sum(jnp.abs(s), axis=1, keepdims=True))  # [B, 1]
    y = s / denom
    # y_hat: per-token scalar weight gather, multiply, sum over valid tokens
    w_tok = jnp.take(weights, word_sequence, axis=0)      # [B, T] gather
    w_tok = w_tok * mask.astype(w_tok.dtype)
    y_hat = jnp.sum(vs * w_tok[:, :, None], axis=1)       # [B, D]
    return (y, y_hat)

if __name__ == "__main__":
    import jax
    _d = setup_inputs()
    print(jax.jit(kernel)(*tuple(_d.values())))

</pallas_src>

<mosaic_0001>
#map = affine_map<(d0, d1) -> (0)>
#map1 = affine_map<(d0, d1) -> (0, 0, 0)>
module attributes {stable_mosaic.version = 14 : i64} {
  func.func @gather_kernel(%arg0: i32, %arg1: i32, %arg2: memref<100000xf32, #tpu.memory_space<hbm>>, %arg3: memref<32x8x128xi32, #tpu.memory_space<hbm>>, %arg4: memref<32x8x128xf32, #tpu.memory_space<hbm>>, %arg5: memref<8x128xi32, #tpu.memory_space<vmem>>, %arg6: memref<8x128xf32, #tpu.memory_space<vmem>>, %arg7: memref<!tpu.dma_semaphore, #tpu.memory_space<semaphore_mem>>, %arg8: memref<!tpu.dma_semaphore, #tpu.memory_space<semaphore_mem>>, %arg9: memref<!tpu.dma_semaphore, #tpu.memory_space<semaphore_mem>>) attributes {dimension_semantics = [#tpu.dimension_semantics<core_parallel>, #tpu.dimension_semantics<subcore_parallel>], iteration_bounds = array<i64: 2, 16>, scalar_prefetch = 0 : i64, scratch_operands = 5 : i64, tpu.core_type = #tpu.core_type<sc_vector_subcore>, window_params = [{transform_indices = #map}, {transform_indices = #map1}, {transform_indices = #map1}]} {
    %mul3A = arith.constant 2 : i32
    %mul3A_0 = arith.muli %arg1, %mul3A : i32
    %add3A = arith.addi %mul3A_0, %arg0 : i32
    %dma_start3A = arith.constant 0 : i32
    %dma_start3A_1 = arith.constant 0 : i32
    %dma_start3A_2 = arith.constant 0 : i32
    %dma_start3A_3 = tpu.memref_slice %arg5[%dma_start3A_1, %dma_start3A_2] : memref<8x128xi32, #tpu.memory_space<vmem>> -> memref<1x128xi32, #tpu.memory_space<vmem>>
    %dma_start3A_4 = tpu.memref_squeeze %dma_start3A_3 : memref<1x128xi32, #tpu.memory_space<vmem>> -> memref<128xi32, #tpu.memory_space<vmem>>
    %dma_start3A_5 = arith.constant 0 : i32
    %dma_start3A_6 = tpu.memref_slice %arg3[%add3A, %dma_start3A, %dma_start3A_5] : memref<32x8x128xi32, #tpu.memory_space<hbm>> -> memref<1x1x128xi32, #tpu.memory_space<hbm>>
    %dma_start3A_7 = tpu.memref_squeeze %dma_start3A_6 : memref<1x1x128xi32, #tpu.memory_space<hbm>> -> memref<128xi32, #tpu.memory_space<hbm>>
    %dma_start3A_8 = arith.constant 0 : i32
    %dma_start3A_9 = tpu.memref_slice %arg5[%dma_start3A_1, %dma_start3A_8] : memref<8x128xi32, #tpu.memory_space<vmem>> -> memref<1x128xi32, #tpu.memory_space<vmem>>
    %dma_start3A_10 = tpu.memref_squeeze %dma_start3A_9 : memref<1x128xi32, #tpu.memory_space<vmem>> -> memref<128xi32, #tpu.memory_space<vmem>>
    %dma_start3A_11 = arith.constant 0 : i32
    %dma_start3A_12 = tpu.memref_slice %arg3[%add3A, %dma_start3A, %dma_start3A_11] : memref<32x8x128xi32, #tpu.memory_space<hbm>> -> memref<1x1x128xi32, #tpu.memory_space<hbm>>
    %dma_start3A_13 = tpu.memref_squeeze %dma_start3A_12 : memref<1x1x128xi32, #tpu.memory_space<hbm>> -> memref<128xi32, #tpu.memory_space<hbm>>
    tpu.enqueue_dma source(%dma_start3A_13 : memref<128xi32, #tpu.memory_space<hbm>>) target(%dma_start3A_10 : memref<128xi32, #tpu.memory_space<vmem>>) target_semaphore(%arg7 : memref<!tpu.dma_semaphore, #tpu.memory_space<semaphore_mem>>)
    %dma_start3A_14 = arith.constant 1 : i32
    %dma_start3A_15 = arith.constant 1 : i32
    %dma_start3A_16 = arith.constant 0 : i32
    %dma_start3A_17 = tpu.memref_slice %arg5[%dma_start3A_15, %dma_start3A_16] : memref<8x128xi32, #tpu.memory_space<vmem>> -> memref<1x128xi32, #tpu.memory_space<vmem>>
    %dma_start3A_18 = tpu.memref_squeeze %dma_start3A_17 : memref<1x128xi32, #tpu.memory_space<vmem>> -> memref<128xi32, #tpu.memory_space<vmem>>
    %dma_start3A_19 = arith.constant 0 : i32
    %dma_start3A_20 = tpu.memref_slice %arg3[%add3A, %dma_start3A_14, %dma_start3A_19] : memref<32x8x128xi32, #tpu.memory_space<hbm>> -> memref<1x1x128xi32, #tpu.memory_space<hbm>>
    %dma_start3A_21 = tpu.memref_squeeze %dma_start3A_20 : memref<1x1x128xi32, #tpu.memory_space<hbm>> -> memref<128xi32, #tpu.memory_space<hbm>>
    %dma_start3A_22 = arith.constant 0 : i32
    %dma_start3A_23 = tpu.memref_slice %arg5[%dma_start3A_15, %dma_start3A_22] : memref<8x128xi32, #tpu.memory_space<vmem>> -> memref<1x128xi32, #tpu.memory_space<vmem>>
    %dma_start3A_24 = tpu.memref_squeeze %dma_start3A_23 : memref<1x128xi32, #tpu.memory_space<vmem>> -> memref<128xi32, #tpu.memory_space<vmem>>
    %dma_start3A_25 = arith.constant 0 : i32
    %dma_start3A_26 = tpu.memref_slice %arg3[%add3A, %dma_start3A_14, %dma_start3A_25] : memref<32x8x128xi32, #tpu.memory_space<hbm>> -> memref<1x1x128xi32, #tpu.memory_space<hbm>>
    %dma_start3A_27 = tpu.memref_squeeze %dma_start3A_26 : memref<1x1x128xi32, #tpu.memory_space<hbm>> -> memref<128xi32, #tpu.memory_space<hbm>>
    tpu.enqueue_dma source(%dma_start3A_27 : memref<128xi32, #tpu.memory_space<hbm>>) target(%dma_start3A_24 : memref<128xi32, #tpu.memory_space<vmem>>) target_semaphore(%arg7 : memref<!tpu.dma_semaphore, #tpu.memory_space<semaphore_mem>>)
    %dma_start3A_28 = arith.constant 2 : i32
    %dma_start3A_29 = arith.constant 2 : i32
    %dma_start3A_30 = arith.constant 0 : i32
    %dma_start3A_31 = tpu.memref_slice %arg5[%dma_start3A_29, %dma_start3A_30] : memref<8x128xi32, #tpu.memory_space<vmem>> -> memref<1x128xi32, #tpu.memory_space<vmem>>
    %dma_start3A_32 = tpu.memref_squeeze %dma_start3A_31 : memref<1x128xi32, #tpu.memory_space<vmem>> -> memref<128xi32, #tpu.memory_space<vmem>>
    %dma_start3A_33 = arith.constant 0 : i32
    %dma_start3A_34 = tpu.memref_slice %arg3[%add3A, %dma_start3A_28, %dma_start3A_33] : memref<32x8x128xi32, #tpu.memory_space<hbm>> -> memref<1x1x128xi32, #tpu.memory_space<hbm>>
    %dma_start3A_35 = tpu.memref_squeeze %dma_start3A_34 : memref<1x1x128xi32, #tpu.memory_space<hbm>> -> memref<128xi32, #tpu.memory_space<hbm>>
    %dma_start3A_36 = arith.constant 0 : i32
    %dma_start3A_37 = tpu.memref_slice %arg5[%dma_start3A_29, %dma_start3A_36] : memref<8x128xi32, #tpu.memory_space<vmem>> -> memref<1x128xi32, #tpu.memory_space<vmem>>
    %dma_start3A_38 = tpu.memref_squeeze %dma_start3A_37 : memref<1x128xi32, #tpu.memory_space<vmem>> -> memref<128xi32, #tpu.memory_space<vmem>>
    %dma_start3A_39 = arith.constant 0 : i32
    %dma_start3A_40 = tpu.memref_slice %arg3[%add3A, %dma_start3A_28, %dma_start3A_39] : memref<32x8x128xi32, #tpu.memory_space<hbm>> -> memref<1x1x128xi32, #tpu.memory_space<hbm>>
    %dma_start3A_41 = tpu.memref_squeeze %dma_start3A_40 : memref<1x1x128xi32, #tpu.memory_space<hbm>> -> memref<128xi32, #tpu.memory_space<hbm>>
    tpu.enqueue_dma source(%dma_start3A_41 : memref<128xi32, #tpu.memory_space<hbm>>) target(%dma_start3A_38 : memref<128xi32, #tpu.memory_space<vmem>>) target_semaphore(%arg7 : memref<!tpu.dma_semaphore, #tpu.memory_space<semaphore_mem>>)
    %dma_start3A_42 = arith.constant 3 : i32
    %dma_start3A_43 = arith.constant 3 : i32
    %dma_start3A_44 = arith.constant 0 : i32
    %dma_start3A_45 = tpu.memref_slice %arg5[%dma_start3A_43, %dma_start3A_44] : memref<8x128xi32, #tpu.memory_space<vmem>> -> memref<1x128xi32, #tpu.memory_space<vmem>>
    %dma_start3A_46 = tpu.memref_squeeze %dma_start3A_45 : memref<1x128xi32, #tpu.memory_space<vmem>> -> memref<128xi32, #tpu.memory_space<vmem>>
    %dma_start3A_47 = arith.constant 0 : i32
    %dma_start3A_48 = tpu.memref_slice %arg3[%add3A, %dma_start3A_42, %dma_start3A_47] : memref<32x8x128xi32, #tpu.memory_space<hbm>> -> memref<1x1x128xi32, #tpu.memory_space<hbm>>
    %dma_start3A_49 = tpu.memref_squeeze %dma_start3A_48 : memref<1x1x128xi32, #tpu.memory_space<hbm>> -> memref<128xi32, #tpu.memory_space<hbm>>
    %dma_start3A_50 = arith.constant 0 : i32
    %dma_start3A_51 = tpu.memref_slice %arg5[%dma_start3A_43, %dma_start3A_50] : memref<8x128xi32, #tpu.memory_space<vmem>> -> memref<1x128xi32, #tpu.memory_space<vmem>>
    %dma_start3A_52 = tpu.memref_squeeze %dma_start3A_51 : memref<1x128xi32, #tpu.memory_space<vmem>> -> memref<128xi32, #tpu.memory_space<vmem>>
    %dma_start3A_53 = arith.constant 0 : i32
    %dma_start3A_54 = tpu.memref_slice %arg3[%add3A, %dma_start3A_42, %dma_start3A_53] : memref<32x8x128xi32, #tpu.memory_space<hbm>> -> memref<1x1x128xi32, #tpu.memory_space<hbm>>
    %dma_start3A_55 = tpu.memref_squeeze %dma_start3A_54 : memref<1x1x128xi32, #tpu.memory_space<hbm>> -> memref<128xi32, #tpu.memory_space<hbm>>
    tpu.enqueue_dma source(%dma_start3A_55 : memref<128xi32, #tpu.memory_space<hbm>>) target(%dma_start3A_52 : memref<128xi32, #tpu.memory_space<vmem>>) target_semaphore(%arg7 : memref<!tpu.dma_semaphore, #tpu.memory_space<semaphore_mem>>)
    %dma_start3A_56 = arith.constant 4 : i32
    %dma_start3A_57 = arith.constant 4 : i32
    %dma_start3A_58 = arith.constant 0 : i32
    %dma_start3A_59 = tpu.memref_slice %arg5[%dma_start3A_57, %dma_start3A_58] : memref<8x128xi32, #tpu.memory_space<vmem>> -> memref<1x128xi32, #tpu.memory_space<vmem>>
    %dma_start3A_60 = tpu.memref_squeeze %dma_start3A_59 : memref<1x128xi32, #tpu.memory_space<vmem>> -> memref<128xi32, #tpu.memory_space<vmem>>
    %dma_start3A_61 = arith.constant 0 : i32
    %dma_start3A_62 = tpu.memref_slice %arg3[%add3A, %dma_start3A_56, %dma_start3A_61] : memref<32x8x128xi32, #tpu.memory_space<hbm>> -> memref<1x1x128xi32, #tpu.memory_space<hbm>>
    %dma_start3A_63 = tpu.memref_squeeze %dma_start3A_62 : memref<1x1x128xi32, #tpu.memory_space<hbm>> -> memref<128xi32, #tpu.memory_space<hbm>>
    %dma_start3A_64 = arith.constant 0 : i32
    %dma_start3A_65 = tpu.memref_slice %arg5[%dma_start3A_57, %dma_start3A_64] : memref<8x128xi32, #tpu.memory_space<vmem>> -> memref<1x128xi32, #tpu.memory_space<vmem>>
    %dma_start3A_66 = tpu.memref_squeeze %dma_start3A_65 : memref<1x128xi32, #tpu.memory_space<vmem>> -> memref<128xi32, #tpu.memory_space<vmem>>
    %dma_start3A_67 = arith.constant 0 : i32
    %dma_start3A_68 = tpu.memref_slice %arg3[%add3A, %dma_start3A_56, %dma_start3A_67] : memref<32x8x128xi32, #tpu.memory_space<hbm>> -> memref<1x1x128xi32, #tpu.memory_space<hbm>>
    %dma_start3A_69 = tpu.memref_squeeze %dma_start3A_68 : memref<1x1x128xi32, #tpu.memory_space<hbm>> -> memref<128xi32, #tpu.memory_space<hbm>>
    tpu.enqueue_dma source(%dma_start3A_69 : memref<128xi32, #tpu.memory_space<hbm>>) target(%dma_start3A_66 : memref<128xi32, #tpu.memory_space<vmem>>) target_semaphore(%arg7 : memref<!tpu.dma_semaphore, #tpu.memory_space<semaphore_mem>>)
    %dma_start3A_70 = arith.constant 5 : i32
    %dma_start3A_71 = arith.constant 5 : i32
    %dma_start3A_72 = arith.constant 0 : i32
    %dma_start3A_73 = tpu.memref_slice %arg5[%dma_start3A_71, %dma_start3A_72] : memref<8x128xi32, #tpu.memory_space<vmem>> -> memref<1x128xi32, #tpu.memory_space<vmem>>
    %dma_start3A_74 = tpu.memref_squeeze %dma_start3A_73 : memref<1x128xi32, #tpu.memory_space<vmem>> -> memref<128xi32, #tpu.memory_space<vmem>>
    %dma_start3A_75 = arith.constant 0 : i32
    %dma_start3A_76 = tpu.memref_slice %arg3[%add3A, %dma_start3A_70, %dma_start3A_75] : memref<32x8x128xi32, #tpu.memory_space<hbm>> -> memref<1x1x128xi32, #tpu.memory_space<hbm>>
    %dma_start3A_77 = tpu.memref_squeeze %dma_start3A_76 : memref<1x1x128xi32, #tpu.memory_space<hbm>> -> memref<128xi32, #tpu.memory_space<hbm>>
    %dma_start3A_78 = arith.constant 0 : i32
    %dma_start3A_79 = tpu.memref_slice %arg5[%dma_start3A_71, %dma_start3A_78] : memref<8x128xi32, #tpu.memory_space<vmem>> -> memref<1x128xi32, #tpu.memory_space<vmem>>
    %dma_start3A_80 = tpu.memref_squeeze %dma_start3A_79 : memref<1x128xi32, #tpu.memory_space<vmem>> -> memref<128xi32, #tpu.memory_space<vmem>>
    %dma_start3A_81 = arith.constant 0 : i32
    %dma_start3A_82 = tpu.memref_slice %arg3[%add3A, %dma_start3A_70, %dma_start3A_81] : memref<32x8x128xi32, #tpu.memory_space<hbm>> -> memref<1x1x128xi32, #tpu.memory_space<hbm>>
    %dma_start3A_83 = tpu.memref_squeeze %dma_start3A_82 : memref<1x1x128xi32, #tpu.memory_space<hbm>> -> memref<128xi32, #tpu.memory_space<hbm>>
    tpu.enqueue_dma source(%dma_start3A_83 : memref<128xi32, #tpu.memory_space<hbm>>) target(%dma_start3A_80 : memref<128xi32, #tpu.memory_space<vmem>>) target_semaphore(%arg7 : memref<!tpu.dma_semaphore, #tpu.memory_space<semaphore_mem>>)
    %dma_start3A_84 = arith.constant 6 : i32
    %dma_start3A_85 = arith.constant 6 : i32
    %dma_start3A_86 = arith.constant 0 : i32
    %dma_start3A_87 = tpu.memref_slice %arg5[%dma_start3A_85, %dma_start3A_86] : memref<8x128xi32, #tpu.memory_space<vmem>> -> memref<1x128xi32, #tpu.memory_space<vmem>>
    %dma_start3A_88 = tpu.memref_squeeze %dma_start3A_87 : memref<1x128xi32, #tpu.memory_space<vmem>> -> memref<128xi32, #tpu.memory_space<vmem>>
    %dma_start3A_89 = arith.constant 0 : i32
    %dma_start3A_90 = tpu.memref_slice %arg3[%add3A, %dma_start3A_84, %dma_start3A_89] : memref<32x8x128xi32, #tpu.memory_space<hbm>> -> memref<1x1x128xi32, #tpu.memory_space<hbm>>
    %dma_start3A_91 = tpu.memref_squeeze %dma_start3A_90 : memref<1x1x128xi32, #tpu.memory_space<hbm>> -> memref<128xi32, #tpu.memory_space<hbm>>
    %dma_start3A_92 = arith.constant 0 : i32
    %dma_start3A_93 = tpu.memref_slice %arg5[%dma_start3A_85, %dma_start3A_92] : memref<8x128xi32, #tpu.memory_space<vmem>> -> memref<1x128xi32, #tpu.memory_space<vmem>>
    %dma_start3A_94 = tpu.memref_squeeze %dma_start3A_93 : memref<1x128xi32, #tpu.memory_space<vmem>> -> memref<128xi32, #tpu.memory_space<vmem>>
    %dma_start3A_95 = arith.constant 0 : i32
    %dma_start3A_96 = tpu.memref_slice %arg3[%add3A, %dma_start3A_84, %dma_start3A_95] : memref<32x8x128xi32, #tpu.memory_space<hbm>> -> memref<1x1x128xi32, #tpu.memory_space<hbm>>
    %dma_start3A_97 = tpu.memref_squeeze %dma_start3A_96 : memref<1x1x128xi32, #tpu.memory_space<hbm>> -> memref<128xi32, #tpu.memory_space<hbm>>
    tpu.enqueue_dma source(%dma_start3A_97 : memref<128xi32, #tpu.memory_space<hbm>>) target(%dma_start3A_94 : memref<128xi32, #tpu.memory_space<vmem>>) target_semaphore(%arg7 : memref<!tpu.dma_semaphore, #tpu.memory_space<semaphore_mem>>)
    %dma_start3A_98 = arith.constant 7 : i32
    %dma_start3A_99 = arith.constant 7 : i32
    %dma_start3A_100 = arith.constant 0 : i32
    %dma_start3A_101 = tpu.memref_slice %arg5[%dma_start3A_99, %dma_start3A_100] : memref<8x128xi32, #tpu.memory_space<vmem>> -> memref<1x128xi32, #tpu.memory_space<vmem>>
    %dma_start3A_102 = tpu.memref_squeeze %dma_start3A_101 : memref<1x128xi32, #tpu.memory_space<vmem>> -> memref<128xi32, #tpu.memory_space<vmem>>
    %dma_start3A_103 = arith.constant 0 : i32
    %dma_start3A_104 = tpu.memref_slice %arg3[%add3A, %dma_start3A_98, %dma_start3A_103] : memref<32x8x128xi32, #tpu.memory_space<hbm>> -> memref<1x1x128xi32, #tpu.memory_space<hbm>>
    %dma_start3A_105 = tpu.memref_squeeze %dma_start3A_104 : memref<1x1x128xi32, #tpu.memory_space<hbm>> -> memref<128xi32, #tpu.memory_space<hbm>>
    %dma_start3A_106 = arith.constant 0 : i32
    %dma_start3A_107 = tpu.memref_slice %arg5[%dma_start3A_99, %dma_start3A_106] : memref<8x128xi32, #tpu.memory_space<vmem>> -> memref<1x128xi32, #tpu.memory_space<vmem>>
    %dma_start3A_108 = tpu.memref_squeeze %dma_start3A_107 : memref<1x128xi32, #tpu.memory_space<vmem>> -> memref<128xi32, #tpu.memory_space<vmem>>
    %dma_start3A_109 = arith.constant 0 : i32
    %dma_start3A_110 = tpu.memref_slice %arg3[%add3A, %dma_start3A_98, %dma_start3A_109] : memref<32x8x128xi32, #tpu.memory_space<hbm>> -> memref<1x1x128xi32, #tpu.memory_space<hbm>>
    %dma_start3A_111 = tpu.memref_squeeze %dma_start3A_110 : memref<1x1x128xi32, #tpu.memory_space<hbm>> -> memref<128xi32, #tpu.memory_space<hbm>>
    tpu.enqueue_dma source(%dma_start3A_111 : memref<128xi32, #tpu.memory_space<hbm>>) target(%dma_start3A_108 : memref<128xi32, #tpu.memory_space<vmem>>) target_semaphore(%arg7 : memref<!tpu.dma_semaphore, #tpu.memory_space<semaphore_mem>>)
    %dma_wait3A = arith.constant 0 : i32
    %dma_wait3A_112 = arith.constant 0 : i32
    %dma_wait3A_113 = arith.constant 0 : i32
    %dma_wait3A_114 = tpu.memref_slice %arg5[%dma_wait3A_112, %dma_wait3A_113] : memref<8x128xi32, #tpu.memory_space<vmem>> -> memref<1x128xi32, #tpu.memory_space<vmem>>
    %dma_wait3A_115 = tpu.memref_squeeze %dma_wait3A_114 : memref<1x128xi32, #tpu.memory_space<vmem>> -> memref<128xi32, #tpu.memory_space<vmem>>
    %dma_wait3A_116 = arith.constant 0 : i32
    %dma_wait3A_117 = tpu.memref_slice %arg3[%add3A, %dma_wait3A, %dma_wait3A_116] : memref<32x8x128xi32, #tpu.memory_space<hbm>> -> memref<1x1x128xi32, #tpu.memory_space<hbm>>
    %dma_wait3A_118 = tpu.memref_squeeze %dma_wait3A_117 : memref<1x1x128xi32, #tpu.memory_space<hbm>> -> memref<128xi32, #tpu.memory_space<hbm>>
    %dma_wait3A_119 = arith.constant 0 : i32
    %dma_wait3A_120 = tpu.memref_slice %arg5[%dma_wait3A_112, %dma_wait3A_119] : memref<8x128xi32, #tpu.memory_space<vmem>> -> memref<1x128xi32, #tpu.memory_space<vmem>>
    %dma_wait3A_121 = tpu.memref_squeeze %dma_wait3A_120 : memref<1x128xi32, #tpu.memory_space<vmem>> -> memref<128xi32, #tpu.memory_space<vmem>>
    %dma_wait3A_122 = arith.constant 0 : i32
    %dma_wait3A_123 = tpu.memref_slice %arg3[%add3A, %dma_wait3A, %dma_wait3A_122] : memref<32x8x128xi32, #tpu.memory_space<hbm>> -> memref<1x1x128xi32, #tpu.memory_space<hbm>>
    %dma_wait3A_124 = tpu.memref_squeeze %dma_wait3A_123 : memref<1x1x128xi32, #tpu.memory_space<hbm>> -> memref<128xi32, #tpu.memory_space<hbm>>
    tpu.wait_dma2 semaphore(%arg7 : memref<!tpu.dma_semaphore, #tpu.memory_space<semaphore_mem>>) src(%dma_wait3A_124 : memref<128xi32, #tpu.memory_space<hbm>>) dst(%dma_wait3A_121 : memref<128xi32, #tpu.memory_space<vmem>>)
    %dma_start3A_125 = arith.constant 0 : i32
    %dma_start3A_126 = arith.constant 0 : i32
    %dma_start3A_127 = arith.constant 0 : i32
    %dma_start3A_128 = tpu.memref_slice %arg6[%dma_start3A_126, %dma_start3A_127] : memref<8x128xf32, #tpu.memory_space<vmem>> -> memref<1x128xf32, #tpu.memory_space<vmem>>
    %dma_start3A_129 = tpu.memref_squeeze %dma_start3A_128 : memref<1x128xf32, #tpu.memory_space<vmem>> -> memref<128xf32, #tpu.memory_space<vmem>>
    %dma_start3A_130 = arith.constant 0 : i32
    %dma_start3A_131 = tpu.memref_slice %arg5[%dma_start3A_125, %dma_start3A_130] : memref<8x128xi32, #tpu.memory_space<vmem>> -> memref<1x128xi32, #tpu.memory_space<vmem>>
    %dma_start3A_132 = tpu.memref_squeeze %dma_start3A_131 : memref<1x128xi32, #tpu.memory_space<vmem>> -> memref<128xi32, #tpu.memory_space<vmem>>
    %dma_start3A_133 = arith.constant 0 : i32
    %dma_start3A_134 = tpu.memref_slice %arg2[%dma_start3A_133] : memref<100000xf32, #tpu.memory_space<hbm>> -> memref<100000xf32, #tpu.memory_space<hbm>>
    tpu.enqueue_indirect_dma source(%dma_start3A_134 : memref<100000xf32, #tpu.memory_space<hbm>>) target(%dma_start3A_129 : memref<128xf32, #tpu.memory_space<vmem>>) offsets(%dma_start3A_132 : memref<128xi32, #tpu.memory_space<vmem>>) semaphore(%arg8 : memref<!tpu.dma_semaphore, #tpu.memory_space<semaphore_mem>>)
    %dma_wait3A_135 = arith.constant 1 : i32
    %dma_wait3A_136 = arith.constant 1 : i32
    %dma_wait3A_137 = arith.constant 0 : i32
    %dma_wait3A_138 = tpu.memref_slice %arg5[%dma_wait3A_136, %dma_wait3A_137] : memref<8x128xi32, #tpu.memory_space<vmem>> -> memref<1x128xi32, #tpu.memory_space<vmem>>
    %dma_wait3A_139 = tpu.memref_squeeze %dma_wait3A_138 : memref<1x128xi32, #tpu.memory_space<vmem>> -> memref<128xi32, #tpu.memory_space<vmem>>
    %dma_wait3A_140 = arith.constant 0 : i32
    %dma_wait3A_141 = tpu.memref_slice %arg3[%add3A, %dma_wait3A_135, %dma_wait3A_140] : memref<32x8x128xi32, #tpu.memory_space<hbm>> -> memref<1x1x128xi32, #tpu.memory_space<hbm>>
    %dma_wait3A_142 = tpu.memref_squeeze %dma_wait3A_141 : memref<1x1x128xi32, #tpu.memory_space<hbm>> -> memref<128xi32, #tpu.memory_space<hbm>>
    %dma_wait3A_143 = arith.constant 0 : i32
    %dma_wait3A_144 = tpu.memref_slice %arg5[%dma_wait3A_136, %dma_wait3A_143] : memref<8x128xi32, #tpu.memory_space<vmem>> -> memref<1x128xi32, #tpu.memory_space<vmem>>
    %dma_wait3A_145 = tpu.memref_squeeze %dma_wait3A_144 : memref<1x128xi32, #tpu.memory_space<vmem>> -> memref<128xi32, #tpu.memory_space<vmem>>
    %dma_wait3A_146 = arith.constant 0 : i32
    %dma_wait3A_147 = tpu.memref_slice %arg3[%add3A, %dma_wait3A_135, %dma_wait3A_146] : memref<32x8x128xi32, #tpu.memory_space<hbm>> -> memref<1x1x128xi32, #tpu.memory_space<hbm>>
    %dma_wait3A_148 = tpu.memref_squeeze %dma_wait3A_147 : memref<1x1x128xi32, #tpu.memory_space<hbm>> -> memref<128xi32, #tpu.memory_space<hbm>>
    tpu.wait_dma2 semaphore(%arg7 : memref<!tpu.dma_semaphore, #tpu.memory_space<semaphore_mem>>) src(%dma_wait3A_148 : memref<128xi32, #tpu.memory_space<hbm>>) dst(%dma_wait3A_145 : memref<128xi32, #tpu.memory_space<vmem>>)
    %dma_start3A_149 = arith.constant 1 : i32
    %dma_start3A_150 = arith.constant 1 : i32
    %dma_start3A_151 = arith.constant 0 : i32
    %dma_start3A_152 = tpu.memref_slice %arg6[%dma_start3A_150, %dma_start3A_151] : memref<8x128xf32, #tpu.memory_space<vmem>> -> memref<1x128xf32, #tpu.memory_space<vmem>>
    %dma_start3A_153 = tpu.memref_squeeze %dma_start3A_152 : memref<1x128xf32, #tpu.memory_space<vmem>> -> memref<128xf32, #tpu.memory_space<vmem>>
    %dma_start3A_154 = arith.constant 0 : i32
    %dma_start3A_155 = tpu.memref_slice %arg5[%dma_start3A_149, %dma_start3A_154] : memref<8x128xi32, #tpu.memory_space<vmem>> -> memref<1x128xi32, #tpu.memory_space<vmem>>
    %dma_start3A_156 = tpu.memref_squeeze %dma_start3A_155 : memref<1x128xi32, #tpu.memory_space<vmem>> -> memref<128xi32, #tpu.memory_space<vmem>>
    %dma_start3A_157 = arith.constant 0 : i32
    %dma_start3A_158 = tpu.memref_slice %arg2[%dma_start3A_157] : memref<100000xf32, #tpu.memory_space<hbm>> -> memref<100000xf32, #tpu.memory_space<hbm>>
    tpu.enqueue_indirect_dma source(%dma_start3A_158 : memref<100000xf32, #tpu.memory_space<hbm>>) target(%dma_start3A_153 : memref<128xf32, #tpu.memory_space<vmem>>) offsets(%dma_start3A_156 : memref<128xi32, #tpu.memory_space<vmem>>) semaphore(%arg8 : memref<!tpu.dma_semaphore, #tpu.memory_space<semaphore_mem>>)
    %dma_wait3A_159 = arith.constant 2 : i32
    %dma_wait3A_160 = arith.constant 2 : i32
    %dma_wait3A_161 = arith.constant 0 : i32
    %dma_wait3A_162 = tpu.memref_slice %arg5[%dma_wait3A_160, %dma_wait3A_161] : memref<8x128xi32, #tpu.memory_space<vmem>> -> memref<1x128xi32, #tpu.memory_space<vmem>>
    %dma_wait3A_163 = tpu.memref_squeeze %dma_wait3A_162 : memref<1x128xi32, #tpu.memory_space<vmem>> -> memref<128xi32, #tpu.memory_space<vmem>>
    %dma_wait3A_164 = arith.constant 0 : i32
    %dma_wait3A_165 = tpu.memref_slice %arg3[%add3A, %dma_wait3A_159, %dma_wait3A_164] : memref<32x8x128xi32, #tpu.memory_space<hbm>> -> memref<1x1x128xi32, #tpu.memory_space<hbm>>
    %dma_wait3A_166 = tpu.memref_squeeze %dma_wait3A_165 : memref<1x1x128xi32, #tpu.memory_space<hbm>> -> memref<128xi32, #tpu.memory_space<hbm>>
    %dma_wait3A_167 = arith.constant 0 : i32
    %dma_wait3A_168 = tpu.memref_slice %arg5[%dma_wait3A_160, %dma_wait3A_167] : memref<8x128xi32, #tpu.memory_space<vmem>> -> memref<1x128xi32, #tpu.memory_space<vmem>>
    %dma_wait3A_169 = tpu.memref_squeeze %dma_wait3A_168 : memref<1x128xi32, #tpu.memory_space<vmem>> -> memref<128xi32, #tpu.memory_space<vmem>>
    %dma_wait3A_170 = arith.constant 0 : i32
    %dma_wait3A_171 = tpu.memref_slice %arg3[%add3A, %dma_wait3A_159, %dma_wait3A_170] : memref<32x8x128xi32, #tpu.memory_space<hbm>> -> memref<1x1x128xi32, #tpu.memory_space<hbm>>
    %dma_wait3A_172 = tpu.memref_squeeze %dma_wait3A_171 : memref<1x1x128xi32, #tpu.memory_space<hbm>> -> memref<128xi32, #tpu.memory_space<hbm>>
    tpu.wait_dma2 semaphore(%arg7 : memref<!tpu.dma_semaphore, #tpu.memory_space<semaphore_mem>>) src(%dma_wait3A_172 : memref<128xi32, #tpu.memory_space<hbm>>) dst(%dma_wait3A_169 : memref<128xi32, #tpu.memory_space<vmem>>)
    %dma_start3A_173 = arith.constant 2 : i32
    %dma_start3A_174 = arith.constant 2 : i32
    %dma_start3A_175 = arith.constant 0 : i32
    %dma_start3A_176 = tpu.memref_slice %arg6[%dma_start3A_174, %dma_start3A_175] : memref<8x128xf32, #tpu.memory_space<vmem>> -> memref<1x128xf32, #tpu.memory_space<vmem>>
    %dma_start3A_177 = tpu.memref_squeeze %dma_start3A_176 : memref<1x128xf32, #tpu.memory_space<vmem>> -> memref<128xf32, #tpu.memory_space<vmem>>
    %dma_start3A_178 = arith.constant 0 : i32
    %dma_start3A_179 = tpu.memref_slice %arg5[%dma_start3A_173, %dma_start3A_178] : memref<8x128xi32, #tpu.memory_space<vmem>> -> memref<1x128xi32, #tpu.memory_space<vmem>>
    %dma_start3A_180 = tpu.memref_squeeze %dma_start3A_179 : memref<1x128xi32, #tpu.memory_space<vmem>> -> memref<128xi32, #tpu.memory_space<vmem>>
    %dma_start3A_181 = arith.constant 0 : i32
    %dma_start3A_182 = tpu.memref_slice %arg2[%dma_start3A_181] : memref<100000xf32, #tpu.memory_space<hbm>> -> memref<100000xf32, #tpu.memory_space<hbm>>
    tpu.enqueue_indirect_dma source(%dma_start3A_182 : memref<100000xf32, #tpu.memory_space<hbm>>) target(%dma_start3A_177 : memref<128xf32, #tpu.memory_space<vmem>>) offsets(%dma_start3A_180 : memref<128xi32, #tpu.memory_space<vmem>>) semaphore(%arg8 : memref<!tpu.dma_semaphore, #tpu.memory_space<semaphore_mem>>)
    %dma_wait3A_183 = arith.constant 3 : i32
    %dma_wait3A_184 = arith.constant 3 : i32
    %dma_wait3A_185 = arith.constant 0 : i32
    %dma_wait3A_186 = tpu.memref_slice %arg5[%dma_wait3A_184, %dma_wait3A_185] : memref<8x128xi32, #tpu.memory_space<vmem>> -> memref<1x128xi32, #tpu.memory_space<vmem>>
    %dma_wait3A_187 = tpu.memref_squeeze %dma_wait3A_186 : memref<1x128xi32, #tpu.memory_space<vmem>> -> memref<128xi32, #tpu.memory_space<vmem>>
    %dma_wait3A_188 = arith.constant 0 : i32
    %dma_wait3A_189 = tpu.memref_slice %arg3[%add3A, %dma_wait3A_183, %dma_wait3A_188] : memref<32x8x128xi32, #tpu.memory_space<hbm>> -> memref<1x1x128xi32, #tpu.memory_space<hbm>>
    %dma_wait3A_190 = tpu.memref_squeeze %dma_wait3A_189 : memref<1x1x128xi32, #tpu.memory_space<hbm>> -> memref<128xi32, #tpu.memory_space<hbm>>
    %dma_wait3A_191 = arith.constant 0 : i32
    %dma_wait3A_192 = tpu.memref_slice %arg5[%dma_wait3A_184, %dma_wait3A_191] : memref<8x128xi32, #tpu.memory_space<vmem>> -> memref<1x128xi32, #tpu.memory_space<vmem>>
    %dma_wait3A_193 = tpu.memref_squeeze %dma_wait3A_192 : memref<1x128xi32, #tpu.memory_space<vmem>> -> memref<128xi32, #tpu.memory_space<vmem>>
    %dma_wait3A_194 = arith.constant 0 : i32
    %dma_wait3A_195 = tpu.memref_slice %arg3[%add3A, %dma_wait3A_183, %dma_wait3A_194] : memref<32x8x128xi32, #tpu.memory_space<hbm>> -> memref<1x1x128xi32, #tpu.memory_space<hbm>>
    %dma_wait3A_196 = tpu.memref_squeeze %dma_wait3A_195 : memref<1x1x128xi32, #tpu.memory_space<hbm>> -> memref<128xi32, #tpu.memory_space<hbm>>
    tpu.wait_dma2 semaphore(%arg7 : memref<!tpu.dma_semaphore, #tpu.memory_space<semaphore_mem>>) src(%dma_wait3A_196 : memref<128xi32, #tpu.memory_space<hbm>>) dst(%dma_wait3A_193 : memref<128xi32, #tpu.memory_space<vmem>>)
    %dma_start3A_197 = arith.constant 3 : i32
    %dma_start3A_198 = arith.constant 3 : i32
    %dma_start3A_199 = arith.constant 0 : i32
    %dma_start3A_200 = tpu.memref_slice %arg6[%dma_start3A_198, %dma_start3A_199] : memref<8x128xf32, #tpu.memory_space<vmem>> -> memref<1x128xf32, #tpu.memory_space<vmem>>
    %dma_start3A_201 = tpu.memref_squeeze %dma_start3A_200 : memref<1x128xf32, #tpu.memory_space<vmem>> -> memref<128xf32, #tpu.memory_space<vmem>>
    %dma_start3A_202 = arith.constant 0 : i32
    %dma_start3A_203 = tpu.memref_slice %arg5[%dma_start3A_197, %dma_start3A_202] : memref<8x128xi32, #tpu.memory_space<vmem>> -> memref<1x128xi32, #tpu.memory_space<vmem>>
    %dma_start3A_204 = tpu.memref_squeeze %dma_start3A_203 : memref<1x128xi32, #tpu.memory_space<vmem>> -> memref<128xi32, #tpu.memory_space<vmem>>
    %dma_start3A_205 = arith.constant 0 : i32
    %dma_start3A_206 = tpu.memref_slice %arg2[%dma_start3A_205] : memref<100000xf32, #tpu.memory_space<hbm>> -> memref<100000xf32, #tpu.memory_space<hbm>>
    tpu.enqueue_indirect_dma source(%dma_start3A_206 : memref<100000xf32, #tpu.memory_space<hbm>>) target(%dma_start3A_201 : memref<128xf32, #tpu.memory_space<vmem>>) offsets(%dma_start3A_204 : memref<128xi32, #tpu.memory_space<vmem>>) semaphore(%arg8 : memref<!tpu.dma_semaphore, #tpu.memory_space<semaphore_mem>>)
    %dma_wait3A_207 = arith.constant 4 : i32
    %dma_wait3A_208 = arith.constant 4 : i32
    %dma_wait3A_209 = arith.constant 0 : i32
    %dma_wait3A_210 = tpu.memref_slice %arg5[%dma_wait3A_208, %dma_wait3A_209] : memref<8x128xi32, #tpu.memory_space<vmem>> -> memref<1x128xi32, #tpu.memory_space<vmem>>
    %dma_wait3A_211 = tpu.memref_squeeze %dma_wait3A_210 : memref<1x128xi32, #tpu.memory_space<vmem>> -> memref<128xi32, #tpu.memory_space<vmem>>
    %dma_wait3A_212 = arith.constant 0 : i32
    %dma_wait3A_213 = tpu.memref_slice %arg3[%add3A, %dma_wait3A_207, %dma_wait3A_212] : memref<32x8x128xi32, #tpu.memory_space<hbm>> -> memref<1x1x128xi32, #tpu.memory_space<hbm>>
    %dma_wait3A_214 = tpu.memref_squeeze %dma_wait3A_213 : memref<1x1x128xi32, #tpu.memory_space<hbm>> -> memref<128xi32, #tpu.memory_space<hbm>>
    %dma_wait3A_215 = arith.constant 0 : i32
    %dma_wait3A_216 = tpu.memref_slice %arg5[%dma_wait3A_208, %dma_wait3A_215] : memref<8x128xi32, #tpu.memory_space<vmem>> -> memref<1x128xi32, #tpu.memory_space<vmem>>
    %dma_wait3A_217 = tpu.memref_squeeze %dma_wait3A_216 : memref<1x128xi32, #tpu.memory_space<vmem>> -> memref<128xi32, #tpu.memory_space<vmem>>
    %dma_wait3A_218 = arith.constant 0 : i32
    %dma_wait3A_219 = tpu.memref_slice %arg3[%add3A, %dma_wait3A_207, %dma_wait3A_218] : memref<32x8x128xi32, #tpu.memory_space<hbm>> -> memref<1x1x128xi32, #tpu.memory_space<hbm>>
    %dma_wait3A_220 = tpu.memref_squeeze %dma_wait3A_219 : memref<1x1x128xi32, #tpu.memory_space<hbm>> -> memref<128xi32, #tpu.memory_space<hbm>>
    tpu.wait_dma2 semaphore(%arg7 : memref<!tpu.dma_semaphore, #tpu.memory_space<semaphore_mem>>) src(%dma_wait3A_220 : memref<128xi32, #tpu.memory_space<hbm>>) dst(%dma_wait3A_217 : memref<128xi32, #tpu.memory_space<vmem>>)
    %dma_start3A_221 = arith.constant 4 : i32
    %dma_start3A_222 = arith.constant 4 : i32
    %dma_start3A_223 = arith.constant 0 : i32
    %dma_start3A_224 = tpu.memref_slice %arg6[%dma_start3A_222, %dma_start3A_223] : memref<8x128xf32, #tpu.memory_space<vmem>> -> memref<1x128xf32, #tpu.memory_space<vmem>>
    %dma_start3A_225 = tpu.memref_squeeze %dma_start3A_224 : memref<1x128xf32, #tpu.memory_space<vmem>> -> memref<128xf32, #tpu.memory_space<vmem>>
    %dma_start3A_226 = arith.constant 0 : i32
    %dma_start3A_227 = tpu.memref_slice %arg5[%dma_start3A_221, %dma_start3A_226] : memref<8x128xi32, #tpu.memory_space<vmem>> -> memref<1x128xi32, #tpu.memory_space<vmem>>
    %dma_start3A_228 = tpu.memref_squeeze %dma_start3A_227 : memref<1x128xi32, #tpu.memory_space<vmem>> -> memref<128xi32, #tpu.memory_space<vmem>>
    %dma_start3A_229 = arith.constant 0 : i32
    %dma_start3A_230 = tpu.memref_slice %arg2[%dma_start3A_229] : memref<100000xf32, #tpu.memory_space<hbm>> -> memref<100000xf32, #tpu.memory_space<hbm>>
    tpu.enqueue_indirect_dma source(%dma_start3A_230 : memref<100000xf32, #tpu.memory_space<hbm>>) target(%dma_start3A_225 : memref<128xf32, #tpu.memory_space<vmem>>) offsets(%dma_start3A_228 : memref<128xi32, #tpu.memory_space<vmem>>) semaphore(%arg8 : memref<!tpu.dma_semaphore, #tpu.memory_space<semaphore_mem>>)
    %dma_wait3A_231 = arith.constant 5 : i32
    %dma_wait3A_232 = arith.constant 5 : i32
    %dma_wait3A_233 = arith.constant 0 : i32
    %dma_wait3A_234 = tpu.memref_slice %arg5[%dma_wait3A_232, %dma_wait3A_233] : memref<8x128xi32, #tpu.memory_space<vmem>> -> memref<1x128xi32, #tpu.memory_space<vmem>>
    %dma_wait3A_235 = tpu.memref_squeeze %dma_wait3A_234 : memref<1x128xi32, #tpu.memory_space<vmem>> -> memref<128xi32, #tpu.memory_space<vmem>>
    %dma_wait3A_236 = arith.constant 0 : i32
    %dma_wait3A_237 = tpu.memref_slice %arg3[%add3A, %dma_wait3A_231, %dma_wait3A_236] : memref<32x8x128xi32, #tpu.memory_space<hbm>> -> memref<1x1x128xi32, #tpu.memory_space<hbm>>
    %dma_wait3A_238 = tpu.memref_squeeze %dma_wait3A_237 : memref<1x1x128xi32, #tpu.memory_space<hbm>> -> memref<128xi32, #tpu.memory_space<hbm>>
    %dma_wait3A_239 = arith.constant 0 : i32
    %dma_wait3A_240 = tpu.memref_slice %arg5[%dma_wait3A_232, %dma_wait3A_239] : memref<8x128xi32, #tpu.memory_space<vmem>> -> memref<1x128xi32, #tpu.memory_space<vmem>>
    %dma_wait3A_241 = tpu.memref_squeeze %dma_wait3A_240 : memref<1x128xi32, #tpu.memory_space<vmem>> -> memref<128xi32, #tpu.memory_space<vmem>>
    %dma_wait3A_242 = arith.constant 0 : i32
    %dma_wait3A_243 = tpu.memref_slice %arg3[%add3A, %dma_wait3A_231, %dma_wait3A_242] : memref<32x8x128xi32, #tpu.memory_space<hbm>> -> memref<1x1x128xi32, #tpu.memory_space<hbm>>
    %dma_wait3A_244 = tpu.memref_squeeze %dma_wait3A_243 : memref<1x1x128xi32, #tpu.memory_space<hbm>> -> memref<128xi32, #tpu.memory_space<hbm>>
    tpu.wait_dma2 semaphore(%arg7 : memref<!tpu.dma_semaphore, #tpu.memory_space<semaphore_mem>>) src(%dma_wait3A_244 : memref<128xi32, #tpu.memory_space<hbm>>) dst(%dma_wait3A_241 : memref<128xi32, #tpu.memory_space<vmem>>)
    %dma_start3A_245 = arith.constant 5 : i32
    %dma_start3A_246 = arith.constant 5 : i32
    %dma_start3A_247 = arith.constant 0 : i32
    %dma_start3A_248 = tpu.memref_slice %arg6[%dma_start3A_246, %dma_start3A_247] : memref<8x128xf32, #tpu.memory_space<vmem>> -> memref<1x128xf32, #tpu.memory_space<vmem>>
    %dma_start3A_249 = tpu.memref_squeeze %dma_start3A_248 : memref<1x128xf32, #tpu.memory_space<vmem>> -> memref<128xf32, #tpu.memory_space<vmem>>
    %dma_start3A_250 = arith.constant 0 : i32
    %dma_start3A_251 = tpu.memref_slice %arg5[%dma_start3A_245, %dma_start3A_250] : memref<8x128xi32, #tpu.memory_space<vmem>> -> memref<1x128xi32, #tpu.memory_space<vmem>>
    %dma_start3A_252 = tpu.memref_squeeze %dma_start3A_251 : memref<1x128xi32, #tpu.memory_space<vmem>> -> memref<128xi32, #tpu.memory_space<vmem>>
    %dma_start3A_253 = arith.constant 0 : i32
    %dma_start3A_254 = tpu.memref_slice %arg2[%dma_start3A_253] : memref<100000xf32, #tpu.memory_space<hbm>> -> memref<100000xf32, #tpu.memory_space<hbm>>
    tpu.enqueue_indirect_dma source(%dma_start3A_254 : memref<100000xf32, #tpu.memory_space<hbm>>) target(%dma_start3A_249 : memref<128xf32, #tpu.memory_space<vmem>>) offsets(%dma_start3A_252 : memref<128xi32, #tpu.memory_space<vmem>>) semaphore(%arg8 : memref<!tpu.dma_semaphore, #tpu.memory_space<semaphore_mem>>)
    %dma_wait3A_255 = arith.constant 6 : i32
    %dma_wait3A_256 = arith.constant 6 : i32
    %dma_wait3A_257 = arith.constant 0 : i32
    %dma_wait3A_258 = tpu.memref_slice %arg5[%dma_wait3A_256, %dma_wait3A_257] : memref<8x128xi32, #tpu.memory_space<vmem>> -> memref<1x128xi32, #tpu.memory_space<vmem>>
    %dma_wait3A_259 = tpu.memref_squeeze %dma_wait3A_258 : memref<1x128xi32, #tpu.memory_space<vmem>> -> memref<128xi32, #tpu.memory_space<vmem>>
    %dma_wait3A_260 = arith.constant 0 : i32
    %dma_wait3A_261 = tpu.memref_slice %arg3[%add3A, %dma_wait3A_255, %dma_wait3A_260] : memref<32x8x128xi32, #tpu.memory_space<hbm>> -> memref<1x1x128xi32, #tpu.memory_space<hbm>>
    %dma_wait3A_262 = tpu.memref_squeeze %dma_wait3A_261 : memref<1x1x128xi32, #tpu.memory_space<hbm>> -> memref<128xi32, #tpu.memory_space<hbm>>
    %dma_wait3A_263 = arith.constant 0 : i32
    %dma_wait3A_264 = tpu.memref_slice %arg5[%dma_wait3A_256, %dma_wait3A_263] : memref<8x128xi32, #tpu.memory_space<vmem>> -> memref<1x128xi32, #tpu.memory_space<vmem>>
    %dma_wait3A_265 = tpu.memref_squeeze %dma_wait3A_264 : memref<1x128xi32, #tpu.memory_space<vmem>> -> memref<128xi32, #tpu.memory_space<vmem>>
    %dma_wait3A_266 = arith.constant 0 : i32
    %dma_wait3A_267 = tpu.memref_slice %arg3[%add3A, %dma_wait3A_255, %dma_wait3A_266] : memref<32x8x128xi32, #tpu.memory_space<hbm>> -> memref<1x1x128xi32, #tpu.memory_space<hbm>>
    %dma_wait3A_268 = tpu.memref_squeeze %dma_wait3A_267 : memref<1x1x128xi32, #tpu.memory_space<hbm>> -> memref<128xi32, #tpu.memory_space<hbm>>
    tpu.wait_dma2 semaphore(%arg7 : memref<!tpu.dma_semaphore, #tpu.memory_space<semaphore_mem>>) src(%dma_wait3A_268 : memref<128xi32, #tpu.memory_space<hbm>>) dst(%dma_wait3A_265 : memref<128xi32, #tpu.memory_space<vmem>>)
    %dma_start3A_269 = arith.constant 6 : i32
    %dma_start3A_270 = arith.constant 6 : i32
    %dma_start3A_271 = arith.constant 0 : i32
    %dma_start3A_272 = tpu.memref_slice %arg6[%dma_start3A_270, %dma_start3A_271] : memref<8x128xf32, #tpu.memory_space<vmem>> -> memref<1x128xf32, #tpu.memory_space<vmem>>
    %dma_start3A_273 = tpu.memref_squeeze %dma_start3A_272 : memref<1x128xf32, #tpu.memory_space<vmem>> -> memref<128xf32, #tpu.memory_space<vmem>>
    %dma_start3A_274 = arith.constant 0 : i32
    %dma_start3A_275 = tpu.memref_slice %arg5[%dma_start3A_269, %dma_start3A_274] : memref<8x128xi32, #tpu.memory_space<vmem>> -> memref<1x128xi32, #tpu.memory_space<vmem>>
    %dma_start3A_276 = tpu.memref_squeeze %dma_start3A_275 : memref<1x128xi32, #tpu.memory_space<vmem>> -> memref<128xi32, #tpu.memory_space<vmem>>
    %dma_start3A_277 = arith.constant 0 : i32
    %dma_start3A_278 = tpu.memref_slice %arg2[%dma_start3A_277] : memref<100000xf32, #tpu.memory_space<hbm>> -> memref<100000xf32, #tpu.memory_space<hbm>>
    tpu.enqueue_indirect_dma source(%dma_start3A_278 : memref<100000xf32, #tpu.memory_space<hbm>>) target(%dma_start3A_273 : memref<128xf32, #tpu.memory_space<vmem>>) offsets(%dma_start3A_276 : memref<128xi32, #tpu.memory_space<vmem>>) semaphore(%arg8 : memref<!tpu.dma_semaphore, #tpu.memory_space<semaphore_mem>>)
    %dma_wait3A_279 = arith.constant 7 : i32
    %dma_wait3A_280 = arith.constant 7 : i32
    %dma_wait3A_281 = arith.constant 0 : i32
    %dma_wait3A_282 = tpu.memref_slice %arg5[%dma_wait3A_280, %dma_wait3A_281] : memref<8x128xi32, #tpu.memory_space<vmem>> -> memref<1x128xi32, #tpu.memory_space<vmem>>
    %dma_wait3A_283 = tpu.memref_squeeze %dma_wait3A_282 : memref<1x128xi32, #tpu.memory_space<vmem>> -> memref<128xi32, #tpu.memory_space<vmem>>
    %dma_wait3A_284 = arith.constant 0 : i32
    %dma_wait3A_285 = tpu.memref_slice %arg3[%add3A, %dma_wait3A_279, %dma_wait3A_284] : memref<32x8x128xi32, #tpu.memory_space<hbm>> -> memref<1x1x128xi32, #tpu.memory_space<hbm>>
    %dma_wait3A_286 = tpu.memref_squeeze %dma_wait3A_285 : memref<1x1x128xi32, #tpu.memory_space<hbm>> -> memref<128xi32, #tpu.memory_space<hbm>>
    %dma_wait3A_287 = arith.constant 0 : i32
    %dma_wait3A_288 = tpu.memref_slice %arg5[%dma_wait3A_280, %dma_wait3A_287] : memref<8x128xi32, #tpu.memory_space<vmem>> -> memref<1x128xi32, #tpu.memory_space<vmem>>
    %dma_wait3A_289 = tpu.memref_squeeze %dma_wait3A_288 : memref<1x128xi32, #tpu.memory_space<vmem>> -> memref<128xi32, #tpu.memory_space<vmem>>
    %dma_wait3A_290 = arith.constant 0 : i32
    %dma_wait3A_291 = tpu.memref_slice %arg3[%add3A, %dma_wait3A_279, %dma_wait3A_290] : memref<32x8x128xi32, #tpu.memory_space<hbm>> -> memref<1x1x128xi32, #tpu.memory_space<hbm>>
    %dma_wait3A_292 = tpu.memref_squeeze %dma_wait3A_291 : memref<1x1x128xi32, #tpu.memory_space<hbm>> -> memref<128xi32, #tpu.memory_space<hbm>>
    tpu.wait_dma2 semaphore(%arg7 : memref<!tpu.dma_semaphore, #tpu.memory_space<semaphore_mem>>) src(%dma_wait3A_292 : memref<128xi32, #tpu.memory_space<hbm>>) dst(%dma_wait3A_289 : memref<128xi32, #tpu.memory_space<vmem>>)
    %dma_start3A_293 = arith.constant 7 : i32
    %dma_start3A_294 = arith.constant 7 : i32
    %dma_start3A_295 = arith.constant 0 : i32
    %dma_start3A_296 = tpu.memref_slice %arg6[%dma_start3A_294, %dma_start3A_295] : memref<8x128xf32, #tpu.memory_space<vmem>> -> memref<1x128xf32, #tpu.memory_space<vmem>>
    %dma_start3A_297 = tpu.memref_squeeze %dma_start3A_296 : memref<1x128xf32, #tpu.memory_space<vmem>> -> memref<128xf32, #tpu.memory_space<vmem>>
    %dma_start3A_298 = arith.constant 0 : i32
    %dma_start3A_299 = tpu.memref_slice %arg5[%dma_start3A_293, %dma_start3A_298] : memref<8x128xi32, #tpu.memory_space<vmem>> -> memref<1x128xi32, #tpu.memory_space<vmem>>
    %dma_start3A_300 = tpu.memref_squeeze %dma_start3A_299 : memref<1x128xi32, #tpu.memory_space<vmem>> -> memref<128xi32, #tpu.memory_space<vmem>>
    %dma_start3A_301 = arith.constant 0 : i32
    %dma_start3A_302 = tpu.memref_slice %arg2[%dma_start3A_301] : memref<100000xf32, #tpu.memory_space<hbm>> -> memref<100000xf32, #tpu.memory_space<hbm>>
    tpu.enqueue_indirect_dma source(%dma_start3A_302 : memref<100000xf32, #tpu.memory_space<hbm>>) target(%dma_start3A_297 : memref<128xf32, #tpu.memory_space<vmem>>) offsets(%dma_start3A_300 : memref<128xi32, #tpu.memory_space<vmem>>) semaphore(%arg8 : memref<!tpu.dma_semaphore, #tpu.memory_space<semaphore_mem>>)
    %dma_wait3A_303 = arith.constant 0 : i32
    %dma_wait3A_304 = arith.constant 0 : i32
    %dma_wait3A_305 = arith.constant 0 : i32
    %dma_wait3A_306 = tpu.memref_slice %arg6[%dma_wait3A_304, %dma_wait3A_305] : memref<8x128xf32, #tpu.memory_space<vmem>> -> memref<1x128xf32, #tpu.memory_space<vmem>>
    %dma_wait3A_307 = tpu.memref_squeeze %dma_wait3A_306 : memref<1x128xf32, #tpu.memory_space<vmem>> -> memref<128xf32, #tpu.memory_space<vmem>>
    %dma_wait3A_308 = arith.constant 0 : i32
    %dma_wait3A_309 = tpu.memref_slice %arg5[%dma_wait3A_303, %dma_wait3A_308] : memref<8x128xi32, #tpu.memory_space<vmem>> -> memref<1x128xi32, #tpu.memory_space<vmem>>
    %dma_wait3A_310 = tpu.memref_squeeze %dma_wait3A_309 : memref<1x128xi32, #tpu.memory_space<vmem>> -> memref<128xi32, #tpu.memory_space<vmem>>
    %dma_wait3A_311 = arith.constant 0 : i32
    %dma_wait3A_312 = tpu.memref_slice %arg2[%dma_wait3A_311] : memref<100000xf32, #tpu.memory_space<hbm>> -> memref<100000xf32, #tpu.memory_space<hbm>>
    tpu.wait_indirect_dma semaphore(%arg8 : memref<!tpu.dma_semaphore, #tpu.memory_space<semaphore_mem>>) src(%dma_wait3A_312 : memref<100000xf32, #tpu.memory_space<hbm>>) dst(%dma_wait3A_307 : memref<128xf32, #tpu.memory_space<vmem>>)
    %dma_start3A_313 = arith.constant 0 : i32
    %dma_start3A_314 = arith.constant 0 : i32
    %dma_start3A_315 = arith.constant 0 : i32
    %dma_start3A_316 = tpu.memref_slice %arg6[%dma_start3A_313, %dma_start3A_315] : memref<8x128xf32, #tpu.memory_space<vmem>> -> memref<1x128xf32, #tpu.memory_space<vmem>>
    %dma_start3A_317 = tpu.memref_squeeze %dma_start3A_316 : memref<1x128xf32, #tpu.memory_space<vmem>> -> memref<128xf32, #tpu.memory_space<vmem>>
    %dma_start3A_318 = arith.constant 0 : i32
    %dma_start3A_319 = tpu.memref_slice %arg4[%add3A, %dma_start3A_314, %dma_start3A_318] : memref<32x8x128xf32, #tpu.memory_space<hbm>> -> memref<1x1x128xf32, #tpu.memory_space<hbm>>
    %dma_start3A_320 = tpu.memref_squeeze %dma_start3A_319 : memref<1x1x128xf32, #tpu.memory_space<hbm>> -> memref<128xf32, #tpu.memory_space<hbm>>
    %dma_start3A_321 = arith.constant 0 : i32
    %dma_start3A_322 = tpu.memref_slice %arg4[%add3A, %dma_start3A_314, %dma_start3A_321] : memref<32x8x128xf32, #tpu.memory_space<hbm>> -> memref<1x1x128xf32, #tpu.memory_space<hbm>>
    %dma_start3A_323 = tpu.memref_squeeze %dma_start3A_322 : memref<1x1x128xf32, #tpu.memory_space<hbm>> -> memref<128xf32, #tpu.memory_space<hbm>>
    %dma_start3A_324 = arith.constant 0 : i32
    %dma_start3A_325 = tpu.memref_slice %arg6[%dma_start3A_313, %dma_start3A_324] : memref<8x128xf32, #tpu.memory_space<vmem>> -> memref<1x128xf32, #tpu.memory_space<vmem>>
    %dma_start3A_326 = tpu.memref_squeeze %dma_start3A_325 : memref<1x128xf32, #tpu.memory_space<vmem>> -> memref<128xf32, #tpu.memory_space<vmem>>
    tpu.enqueue_dma source(%dma_start3A_326 : memref<128xf32, #tpu.memory_space<vmem>>) target(%dma_start3A_323 : memref<128xf32, #tpu.memory_space<hbm>>) target_semaphore(%arg9 : memref<!tpu.dma_semaphore, #tpu.memory_space<semaphore_mem>>)
    %dma_wait3A_327 = arith.constant 1 : i32
    %dma_wait3A_328 = arith.constant 1 : i32
    %dma_wait3A_329 = arith.constant 0 : i32
    %dma_wait3A_330 = tpu.memref_slice %arg6[%dma_wait3A_328, %dma_wait3A_329] : memref<8x128xf32, #tpu.memory_space<vmem>> -> memref<1x128xf32, #tpu.memory_space<vmem>>
    %dma_wait3A_331 = tpu.memref_squeeze %dma_wait3A_330 : memref<1x128xf32, #tpu.memory_space<vmem>> -> memref<128xf32, #tpu.memory_space<vmem>>
    %dma_wait3A_332 = arith.constant 0 : i32
    %dma_wait3A_333 = tpu.memref_slice %arg5[%dma_wait3A_327, %dma_wait3A_332] : memref<8x128xi32, #tpu.memory_space<vmem>> -> memref<1x128xi32, #tpu.memory_space<vmem>>
    %dma_wait3A_334 = tpu.memref_squeeze %dma_wait3A_333 : memref<1x128xi32, #tpu.memory_space<vmem>> -> memref<128xi32, #tpu.memory_space<vmem>>
    %dma_wait3A_335 = arith.constant 0 : i32
    %dma_wait3A_336 = tpu.memref_slice %arg2[%dma_wait3A_335] : memref<100000xf32, #tpu.memory_space<hbm>> -> memref<100000xf32, #tpu.memory_space<hbm>>
    tpu.wait_indirect_dma semaphore(%arg8 : memref<!tpu.dma_semaphore, #tpu.memory_space<semaphore_mem>>) src(%dma_wait3A_336 : memref<100000xf32, #tpu.memory_space<hbm>>) dst(%dma_wait3A_331 : memref<128xf32, #tpu.memory_space<vmem>>)
    %dma_start3A_337 = arith.constant 1 : i32
    %dma_start3A_338 = arith.constant 1 : i32
    %dma_start3A_339 = arith.constant 0 : i32
    %dma_start3A_340 = tpu.memref_slice %arg6[%dma_start3A_337, %dma_start3A_339] : memref<8x128xf32, #tpu.memory_space<vmem>> -> memref<1x128xf32, #tpu.memory_space<vmem>>
    %dma_start3A_341 = tpu.memref_squeeze %dma_start3A_340 : memref<1x128xf32, #tpu.memory_space<vmem>> -> memref<128xf32, #tpu.memory_space<vmem>>
    %dma_start3A_342 = arith.constant 0 : i32
    %dma_start3A_343 = tpu.memref_slice %arg4[%add3A, %dma_start3A_338, %dma_start3A_342] : memref<32x8x128xf32, #tpu.memory_space<hbm>> -> memref<1x1x128xf32, #tpu.memory_space<hbm>>
    %dma_start3A_344 = tpu.memref_squeeze %dma_start3A_343 : memref<1x1x128xf32, #tpu.memory_space<hbm>> -> memref<128xf32, #tpu.memory_space<hbm>>
    %dma_start3A_345 = arith.constant 0 : i32
    %dma_start3A_346 = tpu.memref_slice %arg4[%add3A, %dma_start3A_338, %dma_start3A_345] : memref<32x8x128xf32, #tpu.memory_space<hbm>> -> memref<1x1x128xf32, #tpu.memory_space<hbm>>
    %dma_start3A_347 = tpu.memref_squeeze %dma_start3A_346 : memref<1x1x128xf32, #tpu.memory_space<hbm>> -> memref<128xf32, #tpu.memory_space<hbm>>
    %dma_start3A_348 = arith.constant 0 : i32
    %dma_start3A_349 = tpu.memref_slice %arg6[%dma_start3A_337, %dma_start3A_348] : memref<8x128xf32, #tpu.memory_space<vmem>> -> memref<1x128xf32, #tpu.memory_space<vmem>>
    %dma_start3A_350 = tpu.memref_squeeze %dma_start3A_349 : memref<1x128xf32, #tpu.memory_space<vmem>> -> memref<128xf32, #tpu.memory_space<vmem>>
    tpu.enqueue_dma source(%dma_start3A_350 : memref<128xf32, #tpu.memory_space<vmem>>) target(%dma_start3A_347 : memref<128xf32, #tpu.memory_space<hbm>>) target_semaphore(%arg9 : memref<!tpu.dma_semaphore, #tpu.memory_space<semaphore_mem>>)
    %dma_wait3A_351 = arith.constant 2 : i32
    %dma_wait3A_352 = arith.constant 2 : i32
    %dma_wait3A_353 = arith.constant 0 : i32
    %dma_wait3A_354 = tpu.memref_slice %arg6[%dma_wait3A_352, %dma_wait3A_353] : memref<8x128xf32, #tpu.memory_space<vmem>> -> memref<1x128xf32, #tpu.memory_space<vmem>>
    %dma_wait3A_355 = tpu.memref_squeeze %dma_wait3A_354 : memref<1x128xf32, #tpu.memory_space<vmem>> -> memref<128xf32, #tpu.memory_space<vmem>>
    %dma_wait3A_356 = arith.constant 0 : i32
    %dma_wait3A_357 = tpu.memref_slice %arg5[%dma_wait3A_351, %dma_wait3A_356] : memref<8x128xi32, #tpu.memory_space<vmem>> -> memref<1x128xi32, #tpu.memory_space<vmem>>
    %dma_wait3A_358 = tpu.memref_squeeze %dma_wait3A_357 : memref<1x128xi32, #tpu.memory_space<vmem>> -> memref<128xi32, #tpu.memory_space<vmem>>
    %dma_wait3A_359 = arith.constant 0 : i32
    %dma_wait3A_360 = tpu.memref_slice %arg2[%dma_wait3A_359] : memref<100000xf32, #tpu.memory_space<hbm>> -> memref<100000xf32, #tpu.memory_space<hbm>>
    tpu.wait_indirect_dma semaphore(%arg8 : memref<!tpu.dma_semaphore, #tpu.memory_space<semaphore_mem>>) src(%dma_wait3A_360 : memref<100000xf32, #tpu.memory_space<hbm>>) dst(%dma_wait3A_355 : memref<128xf32, #tpu.memory_space<vmem>>)
    %dma_start3A_361 = arith.constant 2 : i32
    %dma_start3A_362 = arith.constant 2 : i32
    %dma_start3A_363 = arith.constant 0 : i32
    %dma_start3A_364 = tpu.memref_slice %arg6[%dma_start3A_361, %dma_start3A_363] : memref<8x128xf32, #tpu.memory_space<vmem>> -> memref<1x128xf32, #tpu.memory_space<vmem>>
    %dma_start3A_365 = tpu.memref_squeeze %dma_start3A_364 : memref<1x128xf32, #tpu.memory_space<vmem>> -> memref<128xf32, #tpu.memory_space<vmem>>
    %dma_start3A_366 = arith.constant 0 : i32
    %dma_start3A_367 = tpu.memref_slice %arg4[%add3A, %dma_start3A_362, %dma_start3A_366] : memref<32x8x128xf32, #tpu.memory_space<hbm>> -> memref<1x1x128xf32, #tpu.memory_space<hbm>>
    %dma_start3A_368 = tpu.memref_squeeze %dma_start3A_367 : memref<1x1x128xf32, #tpu.memory_space<hbm>> -> memref<128xf32, #tpu.memory_space<hbm>>
    %dma_start3A_369 = arith.constant 0 : i32
    %dma_start3A_370 = tpu.memref_slice %arg4[%add3A, %dma_start3A_362, %dma_start3A_369] : memref<32x8x128xf32, #tpu.memory_space<hbm>> -> memref<1x1x128xf32, #tpu.memory_space<hbm>>
    %dma_start3A_371 = tpu.memref_squeeze %dma_start3A_370 : memref<1x1x128xf32, #tpu.memory_space<hbm>> -> memref<128xf32, #tpu.memory_space<hbm>>
    %dma_start3A_372 = arith.constant 0 : i32
    %dma_start3A_373 = tpu.memref_slice %arg6[%dma_start3A_361, %dma_start3A_372] : memref<8x128xf32, #tpu.memory_space<vmem>> -> memref<1x128xf32, #tpu.memory_space<vmem>>
    %dma_start3A_374 = tpu.memref_squeeze %dma_start3A_373 : memref<1x128xf32, #tpu.memory_space<vmem>> -> memref<128xf32, #tpu.memory_space<vmem>>
    tpu.enqueue_dma source(%dma_start3A_374 : memref<128xf32, #tpu.memory_space<vmem>>) target(%dma_start3A_371 : memref<128xf32, #tpu.memory_space<hbm>>) target_semaphore(%arg9 : memref<!tpu.dma_semaphore, #tpu.memory_space<semaphore_mem>>)
    %dma_wait3A_375 = arith.constant 3 : i32
    %dma_wait3A_376 = arith.constant 3 : i32
    %dma_wait3A_377 = arith.constant 0 : i32
    %dma_wait3A_378 = tpu.memref_slice %arg6[%dma_wait3A_376, %dma_wait3A_377] : memref<8x128xf32, #tpu.memory_space<vmem>> -> memref<1x128xf32, #tpu.memory_space<vmem>>
    %dma_wait3A_379 = tpu.memref_squeeze %dma_wait3A_378 : memref<1x128xf32, #tpu.memory_space<vmem>> -> memref<128xf32, #tpu.memory_space<vmem>>
    %dma_wait3A_380 = arith.constant 0 : i32
    %dma_wait3A_381 = tpu.memref_slice %arg5[%dma_wait3A_375, %dma_wait3A_380] : memref<8x128xi32, #tpu.memory_space<vmem>> -> memref<1x128xi32, #tpu.memory_space<vmem>>
    %dma_wait3A_382 = tpu.memref_squeeze %dma_wait3A_381 : memref<1x128xi32, #tpu.memory_space<vmem>> -> memref<128xi32, #tpu.memory_space<vmem>>
    %dma_wait3A_383 = arith.constant 0 : i32
    %dma_wait3A_384 = tpu.memref_slice %arg2[%dma_wait3A_383] : memref<100000xf32, #tpu.memory_space<hbm>> -> memref<100000xf32, #tpu.memory_space<hbm>>
    tpu.wait_indirect_dma semaphore(%arg8 : memref<!tpu.dma_semaphore, #tpu.memory_space<semaphore_mem>>) src(%dma_wait3A_384 : memref<100000xf32, #tpu.memory_space<hbm>>) dst(%dma_wait3A_379 : memref<128xf32, #tpu.memory_space<vmem>>)
    %dma_start3A_385 = arith.constant 3 : i32
    %dma_start3A_386 = arith.constant 3 : i32
    %dma_start3A_387 = arith.constant 0 : i32
    %dma_start3A_388 = tpu.memref_slice %arg6[%dma_start3A_385, %dma_start3A_387] : memref<8x128xf32, #tpu.memory_space<vmem>> -> memref<1x128xf32, #tpu.memory_space<vmem>>
    %dma_start3A_389 = tpu.memref_squeeze %dma_start3A_388 : memref<1x128xf32, #tpu.memory_space<vmem>> -> memref<128xf32, #tpu.memory_space<vmem>>
    %dma_start3A_390 = arith.constant 0 : i32
    %dma_start3A_391 = tpu.memref_slice %arg4[%add3A, %dma_start3A_386, %dma_start3A_390] : memref<32x8x128xf32, #tpu.memory_space<hbm>> -> memref<1x1x128xf32, #tpu.memory_space<hbm>>
    %dma_start3A_392 = tpu.memref_squeeze %dma_start3A_391 : memref<1x1x128xf32, #tpu.memory_space<hbm>> -> memref<128xf32, #tpu.memory_space<hbm>>
    %dma_start3A_393 = arith.constant 0 : i32
    %dma_start3A_394 = tpu.memref_slice %arg4[%add3A, %dma_start3A_386, %dma_start3A_393] : memref<32x8x128xf32, #tpu.memory_space<hbm>> -> memref<1x1x128xf32, #tpu.memory_space<hbm>>
    %dma_start3A_395 = tpu.memref_squeeze %dma_start3A_394 : memref<1x1x128xf32, #tpu.memory_space<hbm>> -> memref<128xf32, #tpu.memory_space<hbm>>
    %dma_start3A_396 = arith.constant 0 : i32
    %dma_start3A_397 = tpu.memref_slice %arg6[%dma_start3A_385, %dma_start3A_396] : memref<8x128xf32, #tpu.memory_space<vmem>> -> memref<1x128xf32, #tpu.memory_space<vmem>>
    %dma_start3A_398 = tpu.memref_squeeze %dma_start3A_397 : memref<1x128xf32, #tpu.memory_space<vmem>> -> memref<128xf32, #tpu.memory_space<vmem>>
    tpu.enqueue_dma source(%dma_start3A_398 : memref<128xf32, #tpu.memory_space<vmem>>) target(%dma_start3A_395 : memref<128xf32, #tpu.memory_space<hbm>>) target_semaphore(%arg9 : memref<!tpu.dma_semaphore, #tpu.memory_space<semaphore_mem>>)
    %dma_wait3A_399 = arith.constant 4 : i32
    %dma_wait3A_400 = arith.constant 4 : i32
    %dma_wait3A_401 = arith.constant 0 : i32
    %dma_wait3A_402 = tpu.memref_slice %arg6[%dma_wait3A_400, %dma_wait3A_401] : memref<8x128xf32, #tpu.memory_space<vmem>> -> memref<1x128xf32, #tpu.memory_space<vmem>>
    %dma_wait3A_403 = tpu.memref_squeeze %dma_wait3A_402 : memref<1x128xf32, #tpu.memory_space<vmem>> -> memref<128xf32, #tpu.memory_space<vmem>>
    %dma_wait3A_404 = arith.constant 0 : i32
    %dma_wait3A_405 = tpu.memref_slice %arg5[%dma_wait3A_399, %dma_wait3A_404] : memref<8x128xi32, #tpu.memory_space<vmem>> -> memref<1x128xi32, #tpu.memory_space<vmem>>
    %dma_wait3A_406 = tpu.memref_squeeze %dma_wait3A_405 : memref<1x128xi32, #tpu.memory_space<vmem>> -> memref<128xi32, #tpu.memory_space<vmem>>
    %dma_wait3A_407 = arith.constant 0 : i32
    %dma_wait3A_408 = tpu.memref_slice %arg2[%dma_wait3A_407] : memref<100000xf32, #tpu.memory_space<hbm>> -> memref<100000xf32, #tpu.memory_space<hbm>>
    tpu.wait_indirect_dma semaphore(%arg8 : memref<!tpu.dma_semaphore, #tpu.memory_space<semaphore_mem>>) src(%dma_wait3A_408 : memref<100000xf32, #tpu.memory_space<hbm>>) dst(%dma_wait3A_403 : memref<128xf32, #tpu.memory_space<vmem>>)
    %dma_start3A_409 = arith.constant 4 : i32
    %dma_start3A_410 = arith.constant 4 : i32
    %dma_start3A_411 = arith.constant 0 : i32
    %dma_start3A_412 = tpu.memref_slice %arg6[%dma_start3A_409, %dma_start3A_411] : memref<8x128xf32, #tpu.memory_space<vmem>> -> memref<1x128xf32, #tpu.memory_space<vmem>>
    %dma_start3A_413 = tpu.memref_squeeze %dma_start3A_412 : memref<1x128xf32, #tpu.memory_space<vmem>> -> memref<128xf32, #tpu.memory_space<vmem>>
    %dma_start3A_414 = arith.constant 0 : i32
    %dma_start3A_415 = tpu.memref_slice %arg4[%add3A, %dma_start3A_410, %dma_start3A_414] : memref<32x8x128xf32, #tpu.memory_space<hbm>> -> memref<1x1x128xf32, #tpu.memory_space<hbm>>
    %dma_start3A_416 = tpu.memref_squeeze %dma_start3A_415 : memref<1x1x128xf32, #tpu.memory_space<hbm>> -> memref<128xf32, #tpu.memory_space<hbm>>
    %dma_start3A_417 = arith.constant 0 : i32
    %dma_start3A_418 = tpu.memref_slice %arg4[%add3A, %dma_start3A_410, %dma_start3A_417] : memref<32x8x128xf32, #tpu.memory_space<hbm>> -> memref<1x1x128xf32, #tpu.memory_space<hbm>>
    %dma_start3A_419 = tpu.memref_squeeze %dma_start3A_418 : memref<1x1x128xf32, #tpu.memory_space<hbm>> -> memref<128xf32, #tpu.memory_space<hbm>>
    %dma_start3A_420 = arith.constant 0 : i32
    %dma_start3A_421 = tpu.memref_slice %arg6[%dma_start3A_409, %dma_start3A_420] : memref<8x128xf32, #tpu.memory_space<vmem>> -> memref<1x128xf32, #tpu.memory_space<vmem>>
    %dma_start3A_422 = tpu.memref_squeeze %dma_start3A_421 : memref<1x128xf32, #tpu.memory_space<vmem>> -> memref<128xf32, #tpu.memory_space<vmem>>
    tpu.enqueue_dma source(%dma_start3A_422 : memref<128xf32, #tpu.memory_space<vmem>>) target(%dma_start3A_419 : memref<128xf32, #tpu.memory_space<hbm>>) target_semaphore(%arg9 : memref<!tpu.dma_semaphore, #tpu.memory_space<semaphore_mem>>)
    %dma_wait3A_423 = arith.constant 5 : i32
    %dma_wait3A_424 = arith.constant 5 : i32
    %dma_wait3A_425 = arith.constant 0 : i32
    %dma_wait3A_426 = tpu.memref_slice %arg6[%dma_wait3A_424, %dma_wait3A_425] : memref<8x128xf32, #tpu.memory_space<vmem>> -> memref<1x128xf32, #tpu.memory_space<vmem>>
    %dma_wait3A_427 = tpu.memref_squeeze %dma_wait3A_426 : memref<1x128xf32, #tpu.memory_space<vmem>> -> memref<128xf32, #tpu.memory_space<vmem>>
    %dma_wait3A_428 = arith.constant 0 : i32
    %dma_wait3A_429 = tpu.memref_slice %arg5[%dma_wait3A_423, %dma_wait3A_428] : memref<8x128xi32, #tpu.memory_space<vmem>> -> memref<1x128xi32, #tpu.memory_space<vmem>>
    %dma_wait3A_430 = tpu.memref_squeeze %dma_wait3A_429 : memref<1x128xi32, #tpu.memory_space<vmem>> -> memref<128xi32, #tpu.memory_space<vmem>>
    %dma_wait3A_431 = arith.constant 0 : i32
    %dma_wait3A_432 = tpu.memref_slice %arg2[%dma_wait3A_431] : memref<100000xf32, #tpu.memory_space<hbm>> -> memref<100000xf32, #tpu.memory_space<hbm>>
    tpu.wait_indirect_dma semaphore(%arg8 : memref<!tpu.dma_semaphore, #tpu.memory_space<semaphore_mem>>) src(%dma_wait3A_432 : memref<100000xf32, #tpu.memory_space<hbm>>) dst(%dma_wait3A_427 : memref<128xf32, #tpu.memory_space<vmem>>)
    %dma_start3A_433 = arith.constant 5 : i32
    %dma_start3A_434 = arith.constant 5 : i32
    %dma_start3A_435 = arith.constant 0 : i32
    %dma_start3A_436 = tpu.memref_slice %arg6[%dma_start3A_433, %dma_start3A_435] : memref<8x128xf32, #tpu.memory_space<vmem>> -> memref<1x128xf32, #tpu.memory_space<vmem>>
    %dma_start3A_437 = tpu.memref_squeeze %dma_start3A_436 : memref<1x128xf32, #tpu.memory_space<vmem>> -> memref<128xf32, #tpu.memory_space<vmem>>
    %dma_start3A_438 = arith.constant 0 : i32
    %dma_start3A_439 = tpu.memref_slice %arg4[%add3A, %dma_start3A_434, %dma_start3A_438] : memref<32x8x128xf32, #tpu.memory_space<hbm>> -> memref<1x1x128xf32, #tpu.memory_space<hbm>>
    %dma_start3A_440 = tpu.memref_squeeze %dma_start3A_439 : memref<1x1x128xf32, #tpu.memory_space<hbm>> -> memref<128xf32, #tpu.memory_space<hbm>>
    %dma_start3A_441 = arith.constant 0 : i32
    %dma_start3A_442 = tpu.memref_slice %arg4[%add3A, %dma_start3A_434, %dma_start3A_441] : memref<32x8x128xf32, #tpu.memory_space<hbm>> -> memref<1x1x128xf32, #tpu.memory_space<hbm>>
    %dma_start3A_443 = tpu.memref_squeeze %dma_start3A_442 : memref<1x1x128xf32, #tpu.memory_space<hbm>> -> memref<128xf32, #tpu.memory_space<hbm>>
    %dma_start3A_444 = arith.constant 0 : i32
    %dma_start3A_445 = tpu.memref_slice %arg6[%dma_start3A_433, %dma_start3A_444] : memref<8x128xf32, #tpu.memory_space<vmem>> -> memref<1x128xf32, #tpu.memory_space<vmem>>
    %dma_start3A_446 = tpu.memref_squeeze %dma_start3A_445 : memref<1x128xf32, #tpu.memory_space<vmem>> -> memref<128xf32, #tpu.memory_space<vmem>>
    tpu.enqueue_dma source(%dma_start3A_446 : memref<128xf32, #tpu.memory_space<vmem>>) target(%dma_start3A_443 : memref<128xf32, #tpu.memory_space<hbm>>) target_semaphore(%arg9 : memref<!tpu.dma_semaphore, #tpu.memory_space<semaphore_mem>>)
    %dma_wait3A_447 = arith.constant 6 : i32
    %dma_wait3A_448 = arith.constant 6 : i32
    %dma_wait3A_449 = arith.constant 0 : i32
    %dma_wait3A_450 = tpu.memref_slice %arg6[%dma_wait3A_448, %dma_wait3A_449] : memref<8x128xf32, #tpu.memory_space<vmem>> -> memref<1x128xf32, #tpu.memory_space<vmem>>
    %dma_wait3A_451 = tpu.memref_squeeze %dma_wait3A_450 : memref<1x128xf32, #tpu.memory_space<vmem>> -> memref<128xf32, #tpu.memory_space<vmem>>
    %dma_wait3A_452 = arith.constant 0 : i32
    %dma_wait3A_453 = tpu.memref_slice %arg5[%dma_wait3A_447, %dma_wait3A_452] : memref<8x128xi32, #tpu.memory_space<vmem>> -> memref<1x128xi32, #tpu.memory_space<vmem>>
    %dma_wait3A_454 = tpu.memref_squeeze %dma_wait3A_453 : memref<1x128xi32, #tpu.memory_space<vmem>> -> memref<128xi32, #tpu.memory_space<vmem>>
    %dma_wait3A_455 = arith.constant 0 : i32
    %dma_wait3A_456 = tpu.memref_slice %arg2[%dma_wait3A_455] : memref<100000xf32, #tpu.memory_space<hbm>> -> memref<100000xf32, #tpu.memory_space<hbm>>
    tpu.wait_indirect_dma semaphore(%arg8 : memref<!tpu.dma_semaphore, #tpu.memory_space<semaphore_mem>>) src(%dma_wait3A_456 : memref<100000xf32, #tpu.memory_space<hbm>>) dst(%dma_wait3A_451 : memref<128xf32, #tpu.memory_space<vmem>>)
    %dma_start3A_457 = arith.constant 6 : i32
    %dma_start3A_458 = arith.constant 6 : i32
    %dma_start3A_459 = arith.constant 0 : i32
    %dma_start3A_460 = tpu.memref_slice %arg6[%dma_start3A_457, %dma_start3A_459] : memref<8x128xf32, #tpu.memory_space<vmem>> -> memref<1x128xf32, #tpu.memory_space<vmem>>
    %dma_start3A_461 = tpu.memref_squeeze %dma_start3A_460 : memref<1x128xf32, #tpu.memory_space<vmem>> -> memref<128xf32, #tpu.memory_space<vmem>>
    %dma_start3A_462 = arith.constant 0 : i32
    %dma_start3A_463 = tpu.memref_slice %arg4[%add3A, %dma_start3A_458, %dma_start3A_462] : memref<32x8x128xf32, #tpu.memory_space<hbm>> -> memref<1x1x128xf32, #tpu.memory_space<hbm>>
    %dma_start3A_464 = tpu.memref_squeeze %dma_start3A_463 : memref<1x1x128xf32, #tpu.memory_space<hbm>> -> memref<128xf32, #tpu.memory_space<hbm>>
    %dma_start3A_465 = arith.constant 0 : i32
    %dma_start3A_466 = tpu.memref_slice %arg4[%add3A, %dma_start3A_458, %dma_start3A_465] : memref<32x8x128xf32, #tpu.memory_space<hbm>> -> memref<1x1x128xf32, #tpu.memory_space<hbm>>
    %dma_start3A_467 = tpu.memref_squeeze %dma_start3A_466 : memref<1x1x128xf32, #tpu.memory_space<hbm>> -> memref<128xf32, #tpu.memory_space<hbm>>
    %dma_start3A_468 = arith.constant 0 : i32
    %dma_start3A_469 = tpu.memref_slice %arg6[%dma_start3A_457, %dma_start3A_468] : memref<8x128xf32, #tpu.memory_space<vmem>> -> memref<1x128xf32, #tpu.memory_space<vmem>>
    %dma_start3A_470 = tpu.memref_squeeze %dma_start3A_469 : memref<1x128xf32, #tpu.memory_space<vmem>> -> memref<128xf32, #tpu.memory_space<vmem>>
    tpu.enqueue_dma source(%dma_start3A_470 : memref<128xf32, #tpu.memory_space<vmem>>) target(%dma_start3A_467 : memref<128xf32, #tpu.memory_space<hbm>>) target_semaphore(%arg9 : memref<!tpu.dma_semaphore, #tpu.memory_space<semaphore_mem>>)
    %dma_wait3A_471 = arith.constant 7 : i32
    %dma_wait3A_472 = arith.constant 7 : i32
    %dma_wait3A_473 = arith.constant 0 : i32
    %dma_wait3A_474 = tpu.memref_slice %arg6[%dma_wait3A_472, %dma_wait3A_473] : memref<8x128xf32, #tpu.memory_space<vmem>> -> memref<1x128xf32, #tpu.memory_space<vmem>>
    %dma_wait3A_475 = tpu.memref_squeeze %dma_wait3A_474 : memref<1x128xf32, #tpu.memory_space<vmem>> -> memref<128xf32, #tpu.memory_space<vmem>>
    %dma_wait3A_476 = arith.constant 0 : i32
    %dma_wait3A_477 = tpu.memref_slice %arg5[%dma_wait3A_471, %dma_wait3A_476] : memref<8x128xi32, #tpu.memory_space<vmem>> -> memref<1x128xi32, #tpu.memory_space<vmem>>
    %dma_wait3A_478 = tpu.memref_squeeze %dma_wait3A_477 : memref<1x128xi32, #tpu.memory_space<vmem>> -> memref<128xi32, #tpu.memory_space<vmem>>
    %dma_wait3A_479 = arith.constant 0 : i32
    %dma_wait3A_480 = tpu.memref_slice %arg2[%dma_wait3A_479] : memref<100000xf32, #tpu.memory_space<hbm>> -> memref<100000xf32, #tpu.memory_space<hbm>>
    tpu.wait_indirect_dma semaphore(%arg8 : memref<!tpu.dma_semaphore, #tpu.memory_space<semaphore_mem>>) src(%dma_wait3A_480 : memref<100000xf32, #tpu.memory_space<hbm>>) dst(%dma_wait3A_475 : memref<128xf32, #tpu.memory_space<vmem>>)
    %dma_start3A_481 = arith.constant 7 : i32
    %dma_start3A_482 = arith.constant 7 : i32
    %dma_start3A_483 = arith.constant 0 : i32
    %dma_start3A_484 = tpu.memref_slice %arg6[%dma_start3A_481, %dma_start3A_483] : memref<8x128xf32, #tpu.memory_space<vmem>> -> memref<1x128xf32, #tpu.memory_space<vmem>>
    %dma_start3A_485 = tpu.memref_squeeze %dma_start3A_484 : memref<1x128xf32, #tpu.memory_space<vmem>> -> memref<128xf32, #tpu.memory_space<vmem>>
    %dma_start3A_486 = arith.constant 0 : i32
    %dma_start3A_487 = tpu.memref_slice %arg4[%add3A, %dma_start3A_482, %dma_start3A_486] : memref<32x8x128xf32, #tpu.memory_space<hbm>> -> memref<1x1x128xf32, #tpu.memory_space<hbm>>
    %dma_start3A_488 = tpu.memref_squeeze %dma_start3A_487 : memref<1x1x128xf32, #tpu.memory_space<hbm>> -> memref<128xf32, #tpu.memory_space<hbm>>
    %dma_start3A_489 = arith.constant 0 : i32
    %dma_start3A_490 = tpu.memref_slice %arg4[%add3A, %dma_start3A_482, %dma_start3A_489] : memref<32x8x128xf32, #tpu.memory_space<hbm>> -> memref<1x1x128xf32, #tpu.memory_space<hbm>>
    %dma_start3A_491 = tpu.memref_squeeze %dma_start3A_490 : memref<1x1x128xf32, #tpu.memory_space<hbm>> -> memref<128xf32, #tpu.memory_space<hbm>>
    %dma_start3A_492 = arith.constant 0 : i32
    %dma_start3A_493 = tpu.memref_slice %arg6[%dma_start3A_481, %dma_start3A_492] : memref<8x128xf32, #tpu.memory_space<vmem>> -> memref<1x128xf32, #tpu.memory_space<vmem>>
    %dma_start3A_494 = tpu.memref_squeeze %dma_start3A_493 : memref<1x128xf32, #tpu.memory_space<vmem>> -> memref<128xf32, #tpu.memory_space<vmem>>
    tpu.enqueue_dma source(%dma_start3A_494 : memref<128xf32, #tpu.memory_space<vmem>>) target(%dma_start3A_491 : memref<128xf32, #tpu.memory_space<hbm>>) target_semaphore(%arg9 : memref<!tpu.dma_semaphore, #tpu.memory_space<semaphore_mem>>)
    %dma_wait3A_495 = arith.constant 0 : i32
    %dma_wait3A_496 = arith.constant 0 : i32
    %dma_wait3A_497 = arith.constant 0 : i32
    %dma_wait3A_498 = tpu.memref_slice %arg6[%dma_wait3A_495, %dma_wait3A_497] : memref<8x128xf32, #tpu.memory_space<vmem>> -> memref<1x128xf32, #tpu.memory_space<vmem>>
    %dma_wait3A_499 = tpu.memref_squeeze %dma_wait3A_498 : memref<1x128xf32, #tpu.memory_space<vmem>> -> memref<128xf32, #tpu.memory_space<vmem>>
    %dma_wait3A_500 = arith.constant 0 : i32
    %dma_wait3A_501 = tpu.memref_slice %arg4[%add3A, %dma_wait3A_496, %dma_wait3A_500] : memref<32x8x128xf32, #tpu.memory_space<hbm>> -> memref<1x1x128xf32, #tpu.memory_space<hbm>>
    %dma_wait3A_502 = tpu.memref_squeeze %dma_wait3A_501 : memref<1x1x128xf32, #tpu.memory_space<hbm>> -> memref<128xf32, #tpu.memory_space<hbm>>
    %dma_wait3A_503 = arith.constant 0 : i32
    %dma_wait3A_504 = tpu.memref_slice %arg4[%add3A, %dma_wait3A_496, %dma_wait3A_503] : memref<32x8x128xf32, #tpu.memory_space<hbm>> -> memref<1x1x128xf32, #tpu.memory_space<hbm>>
    %dma_wait3A_505 = tpu.memref_squeeze %dma_wait3A_504 : memref<1x1x128xf32, #tpu.memory_space<hbm>> -> memref<128xf32, #tpu.memory_space<hbm>>
    %dma_wait3A_506 = arith.constant 0 : i32
    %dma_wait3A_507 = tpu.memref_slice %arg6[%dma_wait3A_495, %dma_wait3A_506] : memref<8x128xf32, #tpu.memory_space<vmem>> -> memref<1x128xf32, #tpu.memory_space<vmem>>
    %dma_wait3A_508 = tpu.memref_squeeze %dma_wait3A_507 : memref<1x128xf32, #tpu.memory_space<vmem>> -> memref<128xf32, #tpu.memory_space<vmem>>
    tpu.wait_dma2 semaphore(%arg9 : memref<!tpu.dma_semaphore, #tpu.memory_space<semaphore_mem>>) src(%dma_wait3A_508 : memref<128xf32, #tpu.memory_space<vmem>>) dst(%dma_wait3A_505 : memref<128xf32, #tpu.memory_space<hbm>>)
    %dma_wait3A_509 = arith.constant 1 : i32
    %dma_wait3A_510 = arith.constant 1 : i32
    %dma_wait3A_511 = arith.constant 0 : i32
    %dma_wait3A_512 = tpu.memref_slice %arg6[%dma_wait3A_509, %dma_wait3A_511] : memref<8x128xf32, #tpu.memory_space<vmem>> -> memref<1x128xf32, #tpu.memory_space<vmem>>
    %dma_wait3A_513 = tpu.memref_squeeze %dma_wait3A_512 : memref<1x128xf32, #tpu.memory_space<vmem>> -> memref<128xf32, #tpu.memory_space<vmem>>
    %dma_wait3A_514 = arith.constant 0 : i32
    %dma_wait3A_515 = tpu.memref_slice %arg4[%add3A, %dma_wait3A_510, %dma_wait3A_514] : memref<32x8x128xf32, #tpu.memory_space<hbm>> -> memref<1x1x128xf32, #tpu.memory_space<hbm>>
    %dma_wait3A_516 = tpu.memref_squeeze %dma_wait3A_515 : memref<1x1x128xf32, #tpu.memory_space<hbm>> -> memref<128xf32, #tpu.memory_space<hbm>>
    %dma_wait3A_517 = arith.constant 0 : i32
    %dma_wait3A_518 = tpu.memref_slice %arg4[%add3A, %dma_wait3A_510, %dma_wait3A_517] : memref<32x8x128xf32, #tpu.memory_space<hbm>> -> memref<1x1x128xf32, #tpu.memory_space<hbm>>
    %dma_wait3A_519 = tpu.memref_squeeze %dma_wait3A_518 : memref<1x1x128xf32, #tpu.memory_space<hbm>> -> memref<128xf32, #tpu.memory_space<hbm>>
    %dma_wait3A_520 = arith.constant 0 : i32
    %dma_wait3A_521 = tpu.memref_slice %arg6[%dma_wait3A_509, %dma_wait3A_520] : memref<8x128xf32, #tpu.memory_space<vmem>> -> memref<1x128xf32, #tpu.memory_space<vmem>>
    %dma_wait3A_522 = tpu.memref_squeeze %dma_wait3A_521 : memref<1x128xf32, #tpu.memory_space<vmem>> -> memref<128xf32, #tpu.memory_space<vmem>>
    tpu.wait_dma2 semaphore(%arg9 : memref<!tpu.dma_semaphore, #tpu.memory_space<semaphore_mem>>) src(%dma_wait3A_522 : memref<128xf32, #tpu.memory_space<vmem>>) dst(%dma_wait3A_519 : memref<128xf32, #tpu.memory_space<hbm>>)
    %dma_wait3A_523 = arith.constant 2 : i32
    %dma_wait3A_524 = arith.constant 2 : i32
    %dma_wait3A_525 = arith.constant 0 : i32
    %dma_wait3A_526 = tpu.memref_slice %arg6[%dma_wait3A_523, %dma_wait3A_525] : memref<8x128xf32, #tpu.memory_space<vmem>> -> memref<1x128xf32, #tpu.memory_space<vmem>>
    %dma_wait3A_527 = tpu.memref_squeeze %dma_wait3A_526 : memref<1x128xf32, #tpu.memory_space<vmem>> -> memref<128xf32, #tpu.memory_space<vmem>>
    %dma_wait3A_528 = arith.constant 0 : i32
    %dma_wait3A_529 = tpu.memref_slice %arg4[%add3A, %dma_wait3A_524, %dma_wait3A_528] : memref<32x8x128xf32, #tpu.memory_space<hbm>> -> memref<1x1x128xf32, #tpu.memory_space<hbm>>
    %dma_wait3A_530 = tpu.memref_squeeze %dma_wait3A_529 : memref<1x1x128xf32, #tpu.memory_space<hbm>> -> memref<128xf32, #tpu.memory_space<hbm>>
    %dma_wait3A_531 = arith.constant 0 : i32
    %dma_wait3A_532 = tpu.memref_slice %arg4[%add3A, %dma_wait3A_524, %dma_wait3A_531] : memref<32x8x128xf32, #tpu.memory_space<hbm>> -> memref<1x1x128xf32, #tpu.memory_space<hbm>>
    %dma_wait3A_533 = tpu.memref_squeeze %dma_wait3A_532 : memref<1x1x128xf32, #tpu.memory_space<hbm>> -> memref<128xf32, #tpu.memory_space<hbm>>
    %dma_wait3A_534 = arith.constant 0 : i32
    %dma_wait3A_535 = tpu.memref_slice %arg6[%dma_wait3A_523, %dma_wait3A_534] : memref<8x128xf32, #tpu.memory_space<vmem>> -> memref<1x128xf32, #tpu.memory_space<vmem>>
    %dma_wait3A_536 = tpu.memref_squeeze %dma_wait3A_535 : memref<1x128xf32, #tpu.memory_space<vmem>> -> memref<128xf32, #tpu.memory_space<vmem>>
    tpu.wait_dma2 semaphore(%arg9 : memref<!tpu.dma_semaphore, #tpu.memory_space<semaphore_mem>>) src(%dma_wait3A_536 : memref<128xf32, #tpu.memory_space<vmem>>) dst(%dma_wait3A_533 : memref<128xf32, #tpu.memory_space<hbm>>)
    %dma_wait3A_537 = arith.constant 3 : i32
    %dma_wait3A_538 = arith.constant 3 : i32
    %dma_wait3A_539 = arith.constant 0 : i32
    %dma_wait3A_540 = tpu.memref_slice %arg6[%dma_wait3A_537, %dma_wait3A_539] : memref<8x128xf32, #tpu.memory_space<vmem>> -> memref<1x128xf32, #tpu.memory_space<vmem>>
    %dma_wait3A_541 = tpu.memref_squeeze %dma_wait3A_540 : memref<1x128xf32, #tpu.memory_space<vmem>> -> memref<128xf32, #tpu.memory_space<vmem>>
    %dma_wait3A_542 = arith.constant 0 : i32
    %dma_wait3A_543 = tpu.memref_slice %arg4[%add3A, %dma_wait3A_538, %dma_wait3A_542] : memref<32x8x128xf32, #tpu.memory_space<hbm>> -> memref<1x1x128xf32, #tpu.memory_space<hbm>>
    %dma_wait3A_544 = tpu.memref_squeeze %dma_wait3A_543 : memref<1x1x128xf32, #tpu.memory_space<hbm>> -> memref<128xf32, #tpu.memory_space<hbm>>
    %dma_wait3A_545 = arith.constant 0 : i32
    %dma_wait3A_546 = tpu.memref_slice %arg4[%add3A, %dma_wait3A_538, %dma_wait3A_545] : memref<32x8x128xf32, #tpu.memory_space<hbm>> -> memref<1x1x128xf32, #tpu.memory_space<hbm>>
    %dma_wait3A_547 = tpu.memref_squeeze %dma_wait3A_546 : memref<1x1x128xf32, #tpu.memory_space<hbm>> -> memref<128xf32, #tpu.memory_space<hbm>>
    %dma_wait3A_548 = arith.constant 0 : i32
    %dma_wait3A_549 = tpu.memref_slice %arg6[%dma_wait3A_537, %dma_wait3A_548] : memref<8x128xf32, #tpu.memory_space<vmem>> -> memref<1x128xf32, #tpu.memory_space<vmem>>
    %dma_wait3A_550 = tpu.memref_squeeze %dma_wait3A_549 : memref<1x128xf32, #tpu.memory_space<vmem>> -> memref<128xf32, #tpu.memory_space<vmem>>
    tpu.wait_dma2 semaphore(%arg9 : memref<!tpu.dma_semaphore, #tpu.memory_space<semaphore_mem>>) src(%dma_wait3A_550 : memref<128xf32, #tpu.memory_space<vmem>>) dst(%dma_wait3A_547 : memref<128xf32, #tpu.memory_space<hbm>>)
    %dma_wait3A_551 = arith.constant 4 : i32
    %dma_wait3A_552 = arith.constant 4 : i32
    %dma_wait3A_553 = arith.constant 0 : i32
    %dma_wait3A_554 = tpu.memref_slice %arg6[%dma_wait3A_551, %dma_wait3A_553] : memref<8x128xf32, #tpu.memory_space<vmem>> -> memref<1x128xf32, #tpu.memory_space<vmem>>
    %dma_wait3A_555 = tpu.memref_squeeze %dma_wait3A_554 : memref<1x128xf32, #tpu.memory_space<vmem>> -> memref<128xf32, #tpu.memory_space<vmem>>
    %dma_wait3A_556 = arith.constant 0 : i32
    %dma_wait3A_557 = tpu.memref_slice %arg4[%add3A, %dma_wait3A_552, %dma_wait3A_556] : memref<32x8x128xf32, #tpu.memory_space<hbm>> -> memref<1x1x128xf32, #tpu.memory_space<hbm>>
    %dma_wait3A_558 = tpu.memref_squeeze %dma_wait3A_557 : memref<1x1x128xf32, #tpu.memory_space<hbm>> -> memref<128xf32, #tpu.memory_space<hbm>>
    %dma_wait3A_559 = arith.constant 0 : i32
    %dma_wait3A_560 = tpu.memref_slice %arg4[%add3A, %dma_wait3A_552, %dma_wait3A_559] : memref<32x8x128xf32, #tpu.memory_space<hbm>> -> memref<1x1x128xf32, #tpu.memory_space<hbm>>
    %dma_wait3A_561 = tpu.memref_squeeze %dma_wait3A_560 : memref<1x1x128xf32, #tpu.memory_space<hbm>> -> memref<128xf32, #tpu.memory_space<hbm>>
    %dma_wait3A_562 = arith.constant 0 : i32
    %dma_wait3A_563 = tpu.memref_slice %arg6[%dma_wait3A_551, %dma_wait3A_562] : memref<8x128xf32, #tpu.memory_space<vmem>> -> memref<1x128xf32, #tpu.memory_space<vmem>>
    %dma_wait3A_564 = tpu.memref_squeeze %dma_wait3A_563 : memref<1x128xf32, #tpu.memory_space<vmem>> -> memref<128xf32, #tpu.memory_space<vmem>>
    tpu.wait_dma2 semaphore(%arg9 : memref<!tpu.dma_semaphore, #tpu.memory_space<semaphore_mem>>) src(%dma_wait3A_564 : memref<128xf32, #tpu.memory_space<vmem>>) dst(%dma_wait3A_561 : memref<128xf32, #tpu.memory_space<hbm>>)
    %dma_wait3A_565 = arith.constant 5 : i32
    %dma_wait3A_566 = arith.constant 5 : i32
    %dma_wait3A_567 = arith.constant 0 : i32
    %dma_wait3A_568 = tpu.memref_slice %arg6[%dma_wait3A_565, %dma_wait3A_567] : memref<8x128xf32, #tpu.memory_space<vmem>> -> memref<1x128xf32, #tpu.memory_space<vmem>>
    %dma_wait3A_569 = tpu.memref_squeeze %dma_wait3A_568 : memref<1x128xf32, #tpu.memory_space<vmem>> -> memref<128xf32, #tpu.memory_space<vmem>>
    %dma_wait3A_570 = arith.constant 0 : i32
    %dma_wait3A_571 = tpu.memref_slice %arg4[%add3A, %dma_wait3A_566, %dma_wait3A_570] : memref<32x8x128xf32, #tpu.memory_space<hbm>> -> memref<1x1x128xf32, #tpu.memory_space<hbm>>
    %dma_wait3A_572 = tpu.memref_squeeze %dma_wait3A_571 : memref<1x1x128xf32, #tpu.memory_space<hbm>> -> memref<128xf32, #tpu.memory_space<hbm>>
    %dma_wait3A_573 = arith.constant 0 : i32
    %dma_wait3A_574 = tpu.memref_slice %arg4[%add3A, %dma_wait3A_566, %dma_wait3A_573] : memref<32x8x128xf32, #tpu.memory_space<hbm>> -> memref<1x1x128xf32, #tpu.memory_space<hbm>>
    %dma_wait3A_575 = tpu.memref_squeeze %dma_wait3A_574 : memref<1x1x128xf32, #tpu.memory_space<hbm>> -> memref<128xf32, #tpu.memory_space<hbm>>
    %dma_wait3A_576 = arith.constant 0 : i32
    %dma_wait3A_577 = tpu.memref_slice %arg6[%dma_wait3A_565, %dma_wait3A_576] : memref<8x128xf32, #tpu.memory_space<vmem>> -> memref<1x128xf32, #tpu.memory_space<vmem>>
    %dma_wait3A_578 = tpu.memref_squeeze %dma_wait3A_577 : memref<1x128xf32, #tpu.memory_space<vmem>> -> memref<128xf32, #tpu.memory_space<vmem>>
    tpu.wait_dma2 semaphore(%arg9 : memref<!tpu.dma_semaphore, #tpu.memory_space<semaphore_mem>>) src(%dma_wait3A_578 : memref<128xf32, #tpu.memory_space<vmem>>) dst(%dma_wait3A_575 : memref<128xf32, #tpu.memory_space<hbm>>)
    %dma_wait3A_579 = arith.constant 6 : i32
    %dma_wait3A_580 = arith.constant 6 : i32
    %dma_wait3A_581 = arith.constant 0 : i32
    %dma_wait3A_582 = tpu.memref_slice %arg6[%dma_wait3A_579, %dma_wait3A_581] : memref<8x128xf32, #tpu.memory_space<vmem>> -> memref<1x128xf32, #tpu.memory_space<vmem>>
    %dma_wait3A_583 = tpu.memref_squeeze %dma_wait3A_582 : memref<1x128xf32, #tpu.memory_space<vmem>> -> memref<128xf32, #tpu.memory_space<vmem>>
    %dma_wait3A_584 = arith.constant 0 : i32
    %dma_wait3A_585 = tpu.memref_slice %arg4[%add3A, %dma_wait3A_580, %dma_wait3A_584] : memref<32x8x128xf32, #tpu.memory_space<hbm>> -> memref<1x1x128xf32, #tpu.memory_space<hbm>>
    %dma_wait3A_586 = tpu.memref_squeeze %dma_wait3A_585 : memref<1x1x128xf32, #tpu.memory_space<hbm>> -> memref<128xf32, #tpu.memory_space<hbm>>
    %dma_wait3A_587 = arith.constant 0 : i32
    %dma_wait3A_588 = tpu.memref_slice %arg4[%add3A, %dma_wait3A_580, %dma_wait3A_587] : memref<32x8x128xf32, #tpu.memory_space<hbm>> -> memref<1x1x128xf32, #tpu.memory_space<hbm>>
    %dma_wait3A_589 = tpu.memref_squeeze %dma_wait3A_588 : memref<1x1x128xf32, #tpu.memory_space<hbm>> -> memref<128xf32, #tpu.memory_space<hbm>>
    %dma_wait3A_590 = arith.constant 0 : i32
    %dma_wait3A_591 = tpu.memref_slice %arg6[%dma_wait3A_579, %dma_wait3A_590] : memref<8x128xf32, #tpu.memory_space<vmem>> -> memref<1x128xf32, #tpu.memory_space<vmem>>
    %dma_wait3A_592 = tpu.memref_squeeze %dma_wait3A_591 : memref<1x128xf32, #tpu.memory_space<vmem>> -> memref<128xf32, #tpu.memory_space<vmem>>
    tpu.wait_dma2 semaphore(%arg9 : memref<!tpu.dma_semaphore, #tpu.memory_space<semaphore_mem>>) src(%dma_wait3A_592 : memref<128xf32, #tpu.memory_space<vmem>>) dst(%dma_wait3A_589 : memref<128xf32, #tpu.memory_space<hbm>>)
    %dma_wait3A_593 = arith.constant 7 : i32
    %dma_wait3A_594 = arith.constant 7 : i32
    %dma_wait3A_595 = arith.constant 0 : i32
    %dma_wait3A_596 = tpu.memref_slice %arg6[%dma_wait3A_593, %dma_wait3A_595] : memref<8x128xf32, #tpu.memory_space<vmem>> -> memref<1x128xf32, #tpu.memory_space<vmem>>
    %dma_wait3A_597 = tpu.memref_squeeze %dma_wait3A_596 : memref<1x128xf32, #tpu.memory_space<vmem>> -> memref<128xf32, #tpu.memory_space<vmem>>
    %dma_wait3A_598 = arith.constant 0 : i32
    %dma_wait3A_599 = tpu.memref_slice %arg4[%add3A, %dma_wait3A_594, %dma_wait3A_598] : memref<32x8x128xf32, #tpu.memory_space<hbm>> -> memref<1x1x128xf32, #tpu.memory_space<hbm>>
    %dma_wait3A_600 = tpu.memref_squeeze %dma_wait3A_599 : memref<1x1x128xf32, #tpu.memory_space<hbm>> -> memref<128xf32, #tpu.memory_space<hbm>>
    %dma_wait3A_601 = arith.constant 0 : i32
    %dma_wait3A_602 = tpu.memref_slice %arg4[%add3A, %dma_wait3A_594, %dma_wait3A_601] : memref<32x8x128xf32, #tpu.memory_space<hbm>> -> memref<1x1x128xf32, #tpu.memory_space<hbm>>
    %dma_wait3A_603 = tpu.memref_squeeze %dma_wait3A_602 : memref<1x1x128xf32, #tpu.memory_space<hbm>> -> memref<128xf32, #tpu.memory_space<hbm>>
    %dma_wait3A_604 = arith.constant 0 : i32
    %dma_wait3A_605 = tpu.memref_slice %arg6[%dma_wait3A_593, %dma_wait3A_604] : memref<8x128xf32, #tpu.memory_space<vmem>> -> memref<1x128xf32, #tpu.memory_space<vmem>>
    %dma_wait3A_606 = tpu.memref_squeeze %dma_wait3A_605 : memref<1x128xf32, #tpu.memory_space<vmem>> -> memref<128xf32, #tpu.memory_space<vmem>>
    tpu.wait_dma2 semaphore(%arg9 : memref<!tpu.dma_semaphore, #tpu.memory_space<semaphore_mem>>) src(%dma_wait3A_606 : memref<128xf32, #tpu.memory_space<vmem>>) dst(%dma_wait3A_603 : memref<128xf32, #tpu.memory_space<hbm>>)
    return
  }
}

module attributes {stable_mosaic.version = 14 : i64} {
  func.func @_tc_body(%arg0: i32, %arg1: memref<16xi32, #tpu.memory_space<smem>>, %arg2: memref<1x2048x256xf32, #tpu.memory_space<vmem>>, %arg3: memref<1x2048x256xf32, #tpu.memory_space<vmem>>, %arg4: memref<1x2048x256xf32, #tpu.memory_space<vmem>>, %arg5: memref<1x2048x256xf32, #tpu.memory_space<vmem>>, %arg6: memref<1x1x2048xf32, #tpu.memory_space<vmem>>, %arg7: memref<1x1x2048xf32, #tpu.memory_space<vmem>>, %arg8: memref<1x1x2048xf32, #tpu.memory_space<vmem>>, %arg9: memref<1x1x2048xf32, #tpu.memory_space<vmem>>, %arg10: memref<1x1x256xf32, #tpu.memory_space<vmem>>, %arg11: memref<1x1x256xf32, #tpu.memory_space<vmem>>, %arg12: memref<1x1x256xf32, #tpu.memory_space<vmem>>, %arg13: memref<1x1x256xf32, #tpu.memory_space<vmem>>, %arg14: memref<1x1x256xf32, #tpu.memory_space<vmem>>, %arg15: memref<1x1x256xf32, #tpu.memory_space<vmem>>, %arg16: memref<1x1x256xf32, #tpu.memory_space<vmem>>, %arg17: memref<1x1x256xf32, #tpu.memory_space<vmem>>) attributes {dimension_semantics = [#tpu.dimension_semantics<arbitrary>], iteration_bounds = array<i64: 4>, scalar_prefetch = 0 : i64, scratch_operands = 0 : i64, tpu.core_type = #tpu.core_type<tc>, window_params = [{transform_indices = @transform_0, window_bounds = array<i64: 16>}, {transform_indices = @transform_1, window_bounds = array<i64: 1, 2048, 256>}, {transform_indices = @transform_2, window_bounds = array<i64: 1, 2048, 256>}, {transform_indices = @transform_3, window_bounds = array<i64: 1, 2048, 256>}, {transform_indices = @transform_4, window_bounds = array<i64: 1, 2048, 256>}, {transform_indices = @transform_5, window_bounds = array<i64: 1, 1, 2048>}, {transform_indices = @transform_6, window_bounds = array<i64: 1, 1, 2048>}, {transform_indices = @transform_7, window_bounds = array<i64: 1, 1, 2048>}, {transform_indices = @transform_8, window_bounds = array<i64: 1, 1, 2048>}, {transform_indices = @transform_9, window_bounds = array<i64: 1, 1, 256>}, {transform_indices = @transform_10, window_bounds = array<i64: 1, 1, 256>}, {transform_indices = @transform_11, window_bounds = array<i64: 1, 1, 256>}, {transform_indices = @transform_12, window_bounds = array<i64: 1, 1, 256>}, {transform_indices = @transform_13, window_bounds = array<i64: 1, 1, 256>}, {transform_indices = @transform_14, window_bounds = array<i64: 1, 1, 256>}, {transform_indices = @transform_15, window_bounds = array<i64: 1, 1, 256>}, {transform_indices = @transform_16, window_bounds = array<i64: 1, 1, 256>}]} {
    %add3A = arith.constant 0 : i32
    %add3A_0 = arith.addi %arg0, %add3A : i32
    %get3A = arith.index_cast %add3A_0 : i32 to index
    %get3A_1 = memref.load %arg1[%get3A] : memref<16xi32, #tpu.memory_space<smem>>
    %get3A_2 = arith.constant 0 : index
    %get3A_3 = arith.constant 0 : index
    %get3A_4 = arith.constant 0 : index
    %get3A_5 = vector.load %arg2[%get3A_2, %get3A_3, %get3A_4] : memref<1x2048x256xf32, #tpu.memory_space<vmem>>, vector<1x2048x256xf32>
    %get3A_6 = vector.shape_cast %get3A_5 : vector<1x2048x256xf32> to vector<2048x256xf32>
    %get3A_7 = arith.constant 0 : index
    %get3A_8 = arith.constant 0 : index
    %get3A_9 = arith.constant 0 : index
    %get3A_10 = vector.load %arg6[%get3A_7, %get3A_8, %get3A_9] : memref<1x1x2048xf32, #tpu.memory_space<vmem>>, vector<1x1x2048xf32>
    %get3A_11 = vector.shape_cast %get3A_10 : vector<1x1x2048xf32> to vector<1x2048xf32>
    %iota3A = tpu.iota {dimensions = array<i32: 1>} : vector<1x2048xi32>
    %lt3A = vector.broadcast %get3A_1 : i32 to vector<1x2048xi32>
    %lt3A_12 = arith.cmpi slt, %iota3A, %lt3A : vector<1x2048xi32>
    %convert_element_type3A = arith.extui %lt3A_12 : vector<1x2048xi1> to vector<1x2048xi32>
    %convert_element_type3A_13 = arith.sitofp %convert_element_type3A : vector<1x2048xi32> to vector<1x2048xf32>
    %mul3A = arith.mulf %get3A_11, %convert_element_type3A_13 : vector<1x2048xf32>
    %concatenate3A = tpu.concatenate %convert_element_type3A_13, %mul3A in 0 : vector<1x2048xf32>, vector<1x2048xf32> -> vector<2x2048xf32>
    %dot_general3A = arith.constant dense<0.000000e+00> : vector<2x256xf32>
    %dot_general3A_14 = tpu.matmul %concatenate3A, %get3A_6, %dot_general3A {dimension_numbers = #tpu.dot_dimension_numbers<[1], [0], [0], [1], [0, 0, 1, 1], [], []>, transpose_lhs_hint = false} : vector<2x2048xf32>, vector<2048x256xf32>, vector<2x256xf32> -> vector<2x256xf32>
    %slice3A = vector.extract_strided_slice %dot_general3A_14 {offsets = [0, 0], sizes = [1, 256], strides = [1, 1]} : vector<2x256xf32> to vector<1x256xf32>
    %abs3A = math.absf %slice3A : vector<1x256xf32>
    %reduce_sum3A = vector.shape_cast %abs3A : vector<1x256xf32> to vector<1x1x256xf32>
    %reduce_sum3A_15 = arith.constant dense<0.000000e+00> : vector<1xf32>
    %reduce_sum3A_16 = vector.multi_reduction <add>, %reduce_sum3A, %reduce_sum3A_15 [1, 2] : vector<1x1x256xf32> to vector<1xf32>
    %reduce_sum3A_17 = vector.shape_cast %reduce_sum3A_16 : vector<1xf32> to vector<1x1x1xf32>
    %reduce_sum3A_18 = vector.extract %reduce_sum3A_17[0, 0, 0] : f32 from vector<1x1x1xf32>
    %sqrt3A = math.sqrt %reduce_sum3A_18 : f32
    %div3A = vector.broadcast %sqrt3A : f32 to vector<1x256xf32>
    %div3A_19 = arith.divf %slice3A, %div3A : vector<1x256xf32>
    %swap3A = arith.constant 0 : index
    %swap3A_20 = arith.constant 0 : index
    %swap3A_21 = arith.constant 0 : index
    %swap3A_22 = vector.load %arg10[%swap3A, %swap3A_20, %swap3A_21] : memref<1x1x256xf32, #tpu.memory_space<vmem>>, vector<1x1x256xf32>
    %swap3A_23 = vector.shape_cast %swap3A_22 : vector<1x1x256xf32> to vector<1x256xf32>
    %swap3A_24 = vector.shape_cast %div3A_19 : vector<1x256xf32> to vector<1x1x256xf32>
    tpu.vector_store %arg10[%swap3A, %swap3A_20, %swap3A_21], %swap3A_24 {strides = array<i32>} : memref<1x1x256xf32, #tpu.memory_space<vmem>>, vector<1x1x256xf32>,
    %slice3A_25 = vector.extract_strided_slice %dot_general3A_14 {offsets = [1, 0], sizes = [1, 256], strides = [1, 1]} : vector<2x256xf32> to vector<1x256xf32>
    %swap3A_26 = arith.constant 0 : index
    %swap3A_27 = arith.constant 0 : index
    %swap3A_28 = arith.constant 0 : index
    %swap3A_29 = vector.load %arg14[%swap3A_26, %swap3A_27, %swap3A_28] : memref<1x1x256xf32, #tpu.memory_space<vmem>>, vector<1x1x256xf32>
    %swap3A_30 = vector.shape_cast %swap3A_29 : vector<1x1x256xf32> to vector<1x256xf32>
    %swap3A_31 = vector.shape_cast %slice3A_25 : vector<1x256xf32> to vector<1x1x256xf32>
    tpu.vector_store %arg14[%swap3A_26, %swap3A_27, %swap3A_28], %swap3A_31 {strides = array<i32>} : memref<1x1x256xf32, #tpu.memory_space<vmem>>, vector<1x1x256xf32>,
    %add3A_32 = arith.constant 4 : i32
    %add3A_33 = arith.addi %arg0, %add3A_32 : i32
    %get3A_34 = arith.index_cast %add3A_33 : i32 to index
    %get3A_35 = memref.load %arg1[%get3A_34] : memref<16xi32, #tpu.memory_space<smem>>
    %get3A_36 = arith.constant 0 : index
    %get3A_37 = arith.constant 0 : index
    %get3A_38 = arith.constant 0 : index
    %get3A_39 = vector.load %arg3[%get3A_36, %get3A_37, %get3A_38] : memref<1x2048x256xf32, #tpu.memory_space<vmem>>, vector<1x2048x256xf32>
    %get3A_40 = vector.shape_cast %get3A_39 : vector<1x2048x256xf32> to vector<2048x256xf32>
    %get3A_41 = arith.constant 0 : index
    %get3A_42 = arith.constant 0 : index
    %get3A_43 = arith.constant 0 : index
    %get3A_44 = vector.load %arg7[%get3A_41, %get3A_42, %get3A_43] : memref<1x1x2048xf32, #tpu.memory_space<vmem>>, vector<1x1x2048xf32>
    %get3A_45 = vector.shape_cast %get3A_44 : vector<1x1x2048xf32> to vector<1x2048xf32>
    %iota3A_46 = tpu.iota {dimensions = array<i32: 1>} : vector<1x2048xi32>
    %lt3A_47 = vector.broadcast %get3A_35 : i32 to vector<1x2048xi32>
    %lt3A_48 = arith.cmpi slt, %iota3A_46, %lt3A_47 : vector<1x2048xi32>
    %convert_element_type3A_49 = arith.extui %lt3A_48 : vector<1x2048xi1> to vector<1x2048xi32>
    %convert_element_type3A_50 = arith.sitofp %convert_element_type3A_49 : vector<1x2048xi32> to vector<1x2048xf32>
    %mul3A_51 = arith.mulf %get3A_45, %convert_element_type3A_50 : vector<1x2048xf32>
    %concatenate3A_52 = tpu.concatenate %convert_element_type3A_50, %mul3A_51 in 0 : vector<1x2048xf32>, vector<1x2048xf32> -> vector<2x2048xf32>
    %dot_general3A_53 = arith.constant dense<0.000000e+00> : vector<2x256xf32>
    %dot_general3A_54 = tpu.matmul %concatenate3A_52, %get3A_40, %dot_general3A_53 {dimension_numbers = #tpu.dot_dimension_numbers<[1], [0], [0], [1], [0, 0, 1, 1], [], []>, transpose_lhs_hint = false} : vector<2x2048xf32>, vector<2048x256xf32>, vector<2x256xf32> -> vector<2x256xf32>
    %slice3A_55 = vector.extract_strided_slice %dot_general3A_54 {offsets = [0, 0], sizes = [1, 256], strides = [1, 1]} : vector<2x256xf32> to vector<1x256xf32>
    %abs3A_56 = math.absf %slice3A_55 : vector<1x256xf32>
    %reduce_sum3A_57 = vector.shape_cast %abs3A_56 : vector<1x256xf32> to vector<1x1x256xf32>
    %reduce_sum3A_58 = arith.constant dense<0.000000e+00> : vector<1xf32>
    %reduce_sum3A_59 = vector.multi_reduction <add>, %reduce_sum3A_57, %reduce_sum3A_58 [1, 2] : vector<1x1x256xf32> to vector<1xf32>
    %reduce_sum3A_60 = vector.shape_cast %reduce_sum3A_59 : vector<1xf32> to vector<1x1x1xf32>
    %reduce_sum3A_61 = vector.extract %reduce_sum3A_60[0, 0, 0] : f32 from vector<1x1x1xf32>
    %sqrt3A_62 = math.sqrt %reduce_sum3A_61 : f32
    %div3A_63 = vector.broadcast %sqrt3A_62 : f32 to vector<1x256xf32>
    %div3A_64 = arith.divf %slice3A_55, %div3A_63 : vector<1x256xf32>
    %swap3A_65 = arith.constant 0 : index
    %swap3A_66 = arith.constant 0 : index
    %swap3A_67 = arith.constant 0 : index
    %swap3A_68 = vector.load %arg11[%swap3A_65, %swap3A_66, %swap3A_67] : memref<1x1x256xf32, #tpu.memory_space<vmem>>, vector<1x1x256xf32>
    %swap3A_69 = vector.shape_cast %swap3A_68 : vector<1x1x256xf32> to vector<1x256xf32>
    %swap3A_70 = vector.shape_cast %div3A_64 : vector<1x256xf32> to vector<1x1x256xf32>
    tpu.vector_store %arg11[%swap3A_65, %swap3A_66, %swap3A_67], %swap3A_70 {strides = array<i32>} : memref<1x1x256xf32, #tpu.memory_space<vmem>>, vector<1x1x256xf32>,
    %slice3A_71 = vector.extract_strided_slice %dot_general3A_54 {offsets = [1, 0], sizes = [1, 256], strides = [1, 1]} : vector<2x256xf32> to vector<1x256xf32>
    %swap3A_72 = arith.constant 0 : index
    %swap3A_73 = arith.constant 0 : index
    %swap3A_74 = arith.constant 0 : index
    %swap3A_75 = vector.load %arg15[%swap3A_72, %swap3A_73, %swap3A_74] : memref<1x1x256xf32, #tpu.memory_space<vmem>>, vector<1x1x256xf32>
    %swap3A_76 = vector.shape_cast %swap3A_75 : vector<1x1x256xf32> to vector<1x256xf32>
    %swap3A_77 = vector.shape_cast %slice3A_71 : vector<1x256xf32> to vector<1x1x256xf32>
    tpu.vector_store %arg15[%swap3A_72, %swap3A_73, %swap3A_74], %swap3A_77 {strides = array<i32>} : memref<1x1x256xf32, #tpu.memory_space<vmem>>, vector<1x1x256xf32>,
    %add3A_78 = arith.constant 8 : i32
    %add3A_79 = arith.addi %arg0, %add3A_78 : i32
    %get3A_80 = arith.index_cast %add3A_79 : i32 to index
    %get3A_81 = memref.load %arg1[%get3A_80] : memref<16xi32, #tpu.memory_space<smem>>
    %get3A_82 = arith.constant 0 : index
    %get3A_83 = arith.constant 0 : index
    %get3A_84 = arith.constant 0 : index
    %get3A_85 = vector.load %arg4[%get3A_82, %get3A_83, %get3A_84] : memref<1x2048x256xf32, #tpu.memory_space<vmem>>, vector<1x2048x256xf32>
    %get3A_86 = vector.shape_cast %get3A_85 : vector<1x2048x256xf32> to vector<2048x256xf32>
    %get3A_87 = arith.constant 0 : index
    %get3A_88 = arith.constant 0 : index
    %get3A_89 = arith.constant 0 : index
    %get3A_90 = vector.load %arg8[%get3A_87, %get3A_88, %get3A_89] : memref<1x1x2048xf32, #tpu.memory_space<vmem>>, vector<1x1x2048xf32>
    %get3A_91 = vector.shape_cast %get3A_90 : vector<1x1x2048xf32> to vector<1x2048xf32>
    %iota3A_92 = tpu.iota {dimensions = array<i32: 1>} : vector<1x2048xi32>
    %lt3A_93 = vector.broadcast %get3A_81 : i32 to vector<1x2048xi32>
    %lt3A_94 = arith.cmpi slt, %iota3A_92, %lt3A_93 : vector<1x2048xi32>
    %convert_element_type3A_95 = arith.extui %lt3A_94 : vector<1x2048xi1> to vector<1x2048xi32>
    %convert_element_type3A_96 = arith.sitofp %convert_element_type3A_95 : vector<1x2048xi32> to vector<1x2048xf32>
    %mul3A_97 = arith.mulf %get3A_91, %convert_element_type3A_96 : vector<1x2048xf32>
    %concatenate3A_98 = tpu.concatenate %convert_element_type3A_96, %mul3A_97 in 0 : vector<1x2048xf32>, vector<1x2048xf32> -> vector<2x2048xf32>
    %dot_general3A_99 = arith.constant dense<0.000000e+00> : vector<2x256xf32>
    %dot_general3A_100 = tpu.matmul %concatenate3A_98, %get3A_86, %dot_general3A_99 {dimension_numbers = #tpu.dot_dimension_numbers<[1], [0], [0], [1], [0, 0, 1, 1], [], []>, transpose_lhs_hint = false} : vector<2x2048xf32>, vector<2048x256xf32>, vector<2x256xf32> -> vector<2x256xf32>
    %slice3A_101 = vector.extract_strided_slice %dot_general3A_100 {offsets = [0, 0], sizes = [1, 256], strides = [1, 1]} : vector<2x256xf32> to vector<1x256xf32>
    %abs3A_102 = math.absf %slice3A_101 : vector<1x256xf32>
    %reduce_sum3A_103 = vector.shape_cast %abs3A_102 : vector<1x256xf32> to vector<1x1x256xf32>
    %reduce_sum3A_104 = arith.constant dense<0.000000e+00> : vector<1xf32>
    %reduce_sum3A_105 = vector.multi_reduction <add>, %reduce_sum3A_103, %reduce_sum3A_104 [1, 2] : vector<1x1x256xf32> to vector<1xf32>
    %reduce_sum3A_106 = vector.shape_cast %reduce_sum3A_105 : vector<1xf32> to vector<1x1x1xf32>
    %reduce_sum3A_107 = vector.extract %reduce_sum3A_106[0, 0, 0] : f32 from vector<1x1x1xf32>
    %sqrt3A_108 = math.sqrt %reduce_sum3A_107 : f32
    %div3A_109 = vector.broadcast %sqrt3A_108 : f32 to vector<1x256xf32>
    %div3A_110 = arith.divf %slice3A_101, %div3A_109 : vector<1x256xf32>
    %swap3A_111 = arith.constant 0 : index
    %swap3A_112 = arith.constant 0 : index
    %swap3A_113 = arith.constant 0 : index
    %swap3A_114 = vector.load %arg12[%swap3A_111, %swap3A_112, %swap3A_113] : memref<1x1x256xf32, #tpu.memory_space<vmem>>, vector<1x1x256xf32>
    %swap3A_115 = vector.shape_cast %swap3A_114 : vector<1x1x256xf32> to vector<1x256xf32>
    %swap3A_116 = vector.shape_cast %div3A_110 : vector<1x256xf32> to vector<1x1x256xf32>
    tpu.vector_store %arg12[%swap3A_111, %swap3A_112, %swap3A_113], %swap3A_116 {strides = array<i32>} : memref<1x1x256xf32, #tpu.memory_space<vmem>>, vector<1x1x256xf32>,
    %slice3A_117 = vector.extract_strided_slice %dot_general3A_100 {offsets = [1, 0], sizes = [1, 256], strides = [1, 1]} : vector<2x256xf32> to vector<1x256xf32>
    %swap3A_118 = arith.constant 0 : index
    %swap3A_119 = arith.constant 0 : index
    %swap3A_120 = arith.constant 0 : index
    %swap3A_121 = vector.load %arg16[%swap3A_118, %swap3A_119, %swap3A_120] : memref<1x1x256xf32, #tpu.memory_space<vmem>>, vector<1x1x256xf32>
    %swap3A_122 = vector.shape_cast %swap3A_121 : vector<1x1x256xf32> to vector<1x256xf32>
    %swap3A_123 = vector.shape_cast %slice3A_117 : vector<1x256xf32> to vector<1x1x256xf32>
    tpu.vector_store %arg16[%swap3A_118, %swap3A_119, %swap3A_120], %swap3A_123 {strides = array<i32>} : memref<1x1x256xf32, #tpu.memory_space<vmem>>, vector<1x1x256xf32>,
    %add3A_124 = arith.constant 12 : i32
    %add3A_125 = arith.addi %arg0, %add3A_124 : i32
    %get3A_126 = arith.index_cast %add3A_125 : i32 to index
    %get3A_127 = memref.load %arg1[%get3A_126] : memref<16xi32, #tpu.memory_space<smem>>
    %get3A_128 = arith.constant 0 : index
    %get3A_129 = arith.constant 0 : index
    %get3A_130 = arith.constant 0 : index
    %get3A_131 = vector.load %arg5[%get3A_128, %get3A_129, %get3A_130] : memref<1x2048x256xf32, #tpu.memory_space<vmem>>, vector<1x2048x256xf32>
    %get3A_132 = vector.shape_cast %get3A_131 : vector<1x2048x256xf32> to vector<2048x256xf32>
    %get3A_133 = arith.constant 0 : index
    %get3A_134 = arith.constant 0 : index
    %get3A_135 = arith.constant 0 : index
    %get3A_136 = vector.load %arg9[%get3A_133, %get3A_134, %get3A_135] : memref<1x1x2048xf32, #tpu.memory_space<vmem>>, vector<1x1x2048xf32>
    %get3A_137 = vector.shape_cast %get3A_136 : vector<1x1x2048xf32> to vector<1x2048xf32>
    %iota3A_138 = tpu.iota {dimensions = array<i32: 1>} : vector<1x2048xi32>
    %lt3A_139 = vector.broadcast %get3A_127 : i32 to vector<1x2048xi32>
    %lt3A_140 = arith.cmpi slt, %iota3A_138, %lt3A_139 : vector<1x2048xi32>
    %convert_element_type3A_141 = arith.extui %lt3A_140 : vector<1x2048xi1> to vector<1x2048xi32>
    %convert_element_type3A_142 = arith.sitofp %convert_element_type3A_141 : vector<1x2048xi32> to vector<1x2048xf32>
    %mul3A_143 = arith.mulf %get3A_137, %convert_element_type3A_142 : vector<1x2048xf32>
    %concatenate3A_144 = tpu.concatenate %convert_element_type3A_142, %mul3A_143 in 0 : vector<1x2048xf32>, vector<1x2048xf32> -> vector<2x2048xf32>
    %dot_general3A_145 = arith.constant dense<0.000000e+00> : vector<2x256xf32>
    %dot_general3A_146 = tpu.matmul %concatenate3A_144, %get3A_132, %dot_general3A_145 {dimension_numbers = #tpu.dot_dimension_numbers<[1], [0], [0], [1], [0, 0, 1, 1], [], []>, transpose_lhs_hint = false} : vector<2x2048xf32>, vector<2048x256xf32>, vector<2x256xf32> -> vector<2x256xf32>
    %slice3A_147 = vector.extract_strided_slice %dot_general3A_146 {offsets = [0, 0], sizes = [1, 256], strides = [1, 1]} : vector<2x256xf32> to vector<1x256xf32>
    %abs3A_148 = math.absf %slice3A_147 : vector<1x256xf32>
    %reduce_sum3A_149 = vector.shape_cast %abs3A_148 : vector<1x256xf32> to vector<1x1x256xf32>
    %reduce_sum3A_150 = arith.constant dense<0.000000e+00> : vector<1xf32>
    %reduce_sum3A_151 = vector.multi_reduction <add>, %reduce_sum3A_149, %reduce_sum3A_150 [1, 2] : vector<1x1x256xf32> to vector<1xf32>
    %reduce_sum3A_152 = vector.shape_cast %reduce_sum3A_151 : vector<1xf32> to vector<1x1x1xf32>
    %reduce_sum3A_153 = vector.extract %reduce_sum3A_152[0, 0, 0] : f32 from vector<1x1x1xf32>
    %sqrt3A_154 = math.sqrt %reduce_sum3A_153 : f32
    %div3A_155 = vector.broadcast %sqrt3A_154 : f32 to vector<1x256xf32>
    %div3A_156 = arith.divf %slice3A_147, %div3A_155 : vector<1x256xf32>
    %swap3A_157 = arith.constant 0 : index
    %swap3A_158 = arith.constant 0 : index
    %swap3A_159 = arith.constant 0 : index
    %swap3A_160 = vector.load %arg13[%swap3A_157, %swap3A_158, %swap3A_159] : memref<1x1x256xf32, #tpu.memory_space<vmem>>, vector<1x1x256xf32>
    %swap3A_161 = vector.shape_cast %swap3A_160 : vector<1x1x256xf32> to vector<1x256xf32>
    %swap3A_162 = vector.shape_cast %div3A_156 : vector<1x256xf32> to vector<1x1x256xf32>
    tpu.vector_store %arg13[%swap3A_157, %swap3A_158, %swap3A_159], %swap3A_162 {strides = array<i32>} : memref<1x1x256xf32, #tpu.memory_space<vmem>>, vector<1x1x256xf32>,
    %slice3A_163 = vector.extract_strided_slice %dot_general3A_146 {offsets = [1, 0], sizes = [1, 256], strides = [1, 1]} : vector<2x256xf32> to vector<1x256xf32>
    %swap3A_164 = arith.constant 0 : index
    %swap3A_165 = arith.constant 0 : index
    %swap3A_166 = arith.constant 0 : index
    %swap3A_167 = vector.load %arg17[%swap3A_164, %swap3A_165, %swap3A_166] : memref<1x1x256xf32, #tpu.memory_space<vmem>>, vector<1x1x256xf32>
    %swap3A_168 = vector.shape_cast %swap3A_167 : vector<1x1x256xf32> to vector<1x256xf32>
    %swap3A_169 = vector.shape_cast %slice3A_163 : vector<1x256xf32> to vector<1x1x256xf32>
    tpu.vector_store %arg17[%swap3A_164, %swap3A_165, %swap3A_166], %swap3A_169 {strides = array<i32>} : memref<1x1x256xf32, #tpu.memory_space<vmem>>, vector<1x1x256xf32>,
    return
  }
  func.func @transform_0(%arg0: i32) -> i32 {
    %c0_i32 = arith.constant 0 : i32
    %c0_i32_0 = arith.constant 0 : i32
    return %c0_i32 : i32
  }
  func.func @transform_1(%arg0: i32) -> (i32, i32, i32) {
    %add3A = arith.constant 0 : i32
    %add3A_0 = arith.addi %arg0, %add3A : i32
    %c0_i32 = arith.constant 0 : i32
    %c0_i32_1 = arith.constant 0 : i32
    %c0_i32_2 = arith.constant 0 : i32
    return %add3A_0, %c0_i32, %c0_i32_1 : i32, i32, i32
  }
  func.func @transform_2(%arg0: i32) -> (i32, i32, i32) {
    %add3A = arith.constant 4 : i32
    %add3A_0 = arith.addi %arg0, %add3A : i32
    %c0_i32 = arith.constant 0 : i32
    %c0_i32_1 = arith.constant 0 : i32
    %c0_i32_2 = arith.constant 0 : i32
    return %add3A_0, %c0_i32, %c0_i32_1 : i32, i32, i32
  }
  func.func @transform_3(%arg0: i32) -> (i32, i32, i32) {
    %add3A = arith.constant 8 : i32
    %add3A_0 = arith.addi %arg0, %add3A : i32
    %c0_i32 = arith.constant 0 : i32
    %c0_i32_1 = arith.constant 0 : i32
    %c0_i32_2 = arith.constant 0 : i32
    return %add3A_0, %c0_i32, %c0_i32_1 : i32, i32, i32
  }
  func.func @transform_4(%arg0: i32) -> (i32, i32, i32) {
    %add3A = arith.constant 12 : i32
    %add3A_0 = arith.addi %arg0, %add3A : i32
    %c0_i32 = arith.constant 0 : i32
    %c0_i32_1 = arith.constant 0 : i32
    %c0_i32_2 = arith.constant 0 : i32
    return %add3A_0, %c0_i32, %c0_i32_1 : i32, i32, i32
  }
  func.func @transform_5(%arg0: i32) -> (i32, i32, i32) {
    %add3A = arith.constant 0 : i32
    %add3A_0 = arith.addi %arg0, %add3A : i32
    %c0_i32 = arith.constant 0 : i32
    %c0_i32_1 = arith.constant 0 : i32
    %c0_i32_2 = arith.constant 0 : i32
    return %add3A_0, %c0_i32, %c0_i32_1 : i32, i32, i32
  }
  func.func @transform_6(%arg0: i32) -> (i32, i32, i32) {
    %add3A = arith.constant 4 : i32
    %add3A_0 = arith.addi %arg0, %add3A : i32
    %c0_i32 = arith.constant 0 : i32
    %c0_i32_1 = arith.constant 0 : i32
    %c0_i32_2 = arith.constant 0 : i32
    return %add3A_0, %c0_i32, %c0_i32_1 : i32, i32, i32
  }
  func.func @transform_7(%arg0: i32) -> (i32, i32, i32) {
    %add3A = arith.constant 8 : i32
    %add3A_0 = arith.addi %arg0, %add3A : i32
    %c0_i32 = arith.constant 0 : i32
    %c0_i32_1 = arith.constant 0 : i32
    %c0_i32_2 = arith.constant 0 : i32
    return %add3A_0, %c0_i32, %c0_i32_1 : i32, i32, i32
  }
  func.func @transform_8(%arg0: i32) -> (i32, i32, i32) {
    %add3A = arith.constant 12 : i32
    %add3A_0 = arith.addi %arg0, %add3A : i32
    %c0_i32 = arith.constant 0 : i32
    %c0_i32_1 = arith.constant 0 : i32
    %c0_i32_2 = arith.constant 0 : i32
    return %add3A_0, %c0_i32, %c0_i32_1 : i32, i32, i32
  }
  func.func @transform_9(%arg0: i32) -> (i32, i32, i32) {
    %c0_i32 = arith.constant 0 : i32
    %c0_i32_0 = arith.constant 0 : i32
    %c0_i32_1 = arith.constant 0 : i32
    return %arg0, %c0_i32, %c0_i32_0 : i32, i32, i32
  }
  func.func @transform_10(%arg0: i32) -> (i32, i32, i32) {
    %c0_i32 = arith.constant 0 : i32
    %c0_i32_0 = arith.constant 0 : i32
    %c0_i32_1 = arith.constant 0 : i32
    return %arg0, %c0_i32, %c0_i32_0 : i32, i32, i32
  }
  func.func @transform_11(%arg0: i32) -> (i32, i32, i32) {
    %c0_i32 = arith.constant 0 : i32
    %c0_i32_0 = arith.constant 0 : i32
    %c0_i32_1 = arith.constant 0 : i32
    return %arg0, %c0_i32, %c0_i32_0 : i32, i32, i32
  }
  func.func @transform_12(%arg0: i32) -> (i32, i32, i32) {
    %c0_i32 = arith.constant 0 : i32
    %c0_i32_0 = arith.constant 0 : i32
    %c0_i32_1 = arith.constant 0 : i32
    return %arg0, %c0_i32, %c0_i32_0 : i32, i32, i32
  }
  func.func @transform_13(%arg0: i32) -> (i32, i32, i32) {
    %c0_i32 = arith.constant 0 : i32
    %c0_i32_0 = arith.constant 0 : i32
    %c0_i32_1 = arith.constant 0 : i32
    return %arg0, %c0_i32, %c0_i32_0 : i32, i32, i32
  }
  func.func @transform_14(%arg0: i32) -> (i32, i32, i32) {
    %c0_i32 = arith.constant 0 : i32
    %c0_i32_0 = arith.constant 0 : i32
    %c0_i32_1 = arith.constant 0 : i32
    return %arg0, %c0_i32, %c0_i32_0 : i32, i32, i32
  }
  func.func @transform_15(%arg0: i32) -> (i32, i32, i32) {
    %c0_i32 = arith.constant 0 : i32
    %c0_i32_0 = arith.constant 0 : i32
    %c0_i32_1 = arith.constant 0 : i32
    return %arg0, %c0_i32, %c0_i32_0 : i32, i32, i32
  }
  func.func @transform_16(%arg0: i32) -> (i32, i32, i32) {
    %c0_i32 = arith.constant 0 : i32
    %c0_i32_0 = arith.constant 0 : i32
    %c0_i32_1 = arith.constant 0 : i32
    return %arg0, %c0_i32, %c0_i32_0 : i32, i32, i32
  }
}

</mosaic_0001>

<sc_bundles>
// kernel: kernel.4.cloned.1.call-start
scs
__scs_entry_jumppad:
0x0: {  	(pc) =	sbr.rel $0x88, $3  }
0x1: {  	(tag) =	ssettag $0x0;
	lr =	simm.s32 $0x1  }
0x2: {  	[smem:$0x3F9D] =	sst lr;
	_ =	strace $0xD0000000  }
0x3: {  	_ = 	snop  }
0x4: {  	_ = 	snop  }
0x5: {  	_ = 	snop  }
0x6: {  	_ = 	snop  }
0x7: {  	_ = 	snop  }
__scs_overlays_trampoline_lowered:
0x8: {  	[smem:$0x3FAC] =	sst s0  }
0x9: {  	[smem:$0x3FAD] =	sst s1  }
0xa: {  	[smem:$0x3FAE] =	sst s2  }
0xb: {  	[smem:$0x3FAF] =	sst s3  }
0xc: {  	[smem:$0x3FB0] =	sst s4  }
0xd: {  	[smem:$0x3FB1] =	sst s5  }
0xe: {  	[smem:$0x3FB2] =	sst s6  }
0xf: {  	[smem:$0x3FB3] =	sst s7  }
0x10: {  	[smem:$0x3FB4] =	sst s8  }
0x11: {  	[smem:$0x3FB5] =	sst s9;
	s0 =	simm.s32 @!p0 $0x0  }
0x12: {  	s1 =	sld [smem:$0x3F9B];
	s0 =	simm.s32 @p0 $0x1  }
0x13: {  	[smem:$0x3FB6] =	sst s0;
	s0 =	simm.s32 @!p1 $0x0  }
0x14: {  	s2 =	sld [smem:$0x3F9A];
	s0 =	simm.s32 @p1 $0x1  }
0x15: {  	[smem:$0x3FB7] =	sst s0;
	s0 =	simm.s32 @!p2 $0x0  }
0x16: {  	s3 =	sld [smem:$0x3FDB];
	s0 =	simm.s32 @p2 $0x1  }
0x17: {  	s4 =	simm.s32 $0x1BF5;
	[smem:$0x3FB9] =	sst s0  }
0x18: {  	s0 =	sld [smem:$0x3F9C];
	_ =	swait.ge [sflag:s4], $0x0  }
0x19: {  	s7 =	sld [smem:$0x3F9D]  }
0x1a: {  	s8 =	sadd.s32 $0xFFFFE003, lr  }
0x1b: {  	s9 =	sadd.s32 $0xFFFFFEF7, lr;
	s5 =	simm.s32 $0xFFFFFFFF;
	p2 =	slt.u32 s8, $0xFFFFF086  }
0x1c: {  	p1 =	slt.u32 s9, $0xF7A;
	s5 =	simm.s32 @!p2 $0x0  }
0x1d: {  	s5 =	simm.s32 @p1 $0x1;
	p0 =	seq.s32 s7, s2  }
0x1e: {  	s7 =	smul.u32 @!p0 $0xF7A, s2;
	p2 =	seq.s32 @!p0 s5, $0x0  }
0x1f: {  	s9 =	smul.u32 $0xF7A, s1;
	s8 =	simm.s32 @!p0 $0x1BF5;
	p2 =	por !p2, p0  }
0x20: {  	[sflag:s8] =	ssyncset.s32 @!p0 $0xFFFFF086;
	s6 =	sadd.s32 @!p0 s3, s7;
	s7 =	simm.s32 @!p0 $0x108  }
0x21: {  	s3 =	sadd.s32 s3, s9;
	s6 =	sadd.s32 @!p0 $0x88, s6;
	s7 =	simm.s32 @p2 $0x1082  }
0x22: {  	[simem:s7], [sflag:s8] =	dma.local @!p0 [hbm:s6], $0xF7A  }
0x23: {  	s9 =	sor.u32 $0xD0000000, s2;
	s6 =	simm.s32 $0x108;
	_ =	swait.ge @!p0 [sflag:s8], $0x0  }
0x24: {  	s3 =	sadd.s32 $0x88, s3;
	s6 =	simm.s32 @!p1 $0x1082;
	[sflag:s4] =	ssyncset.s32 $0xFFFFF086  }
0x25: {  	[simem:s6], [sflag:s4] =	dma.local [hbm:s3], $0xF7A  }
0x26: {  	[smem:$0x3F9D] =	sst s1;
	(tag) =	ssettag s2;
	_ =	strace s9  }
0x27: {  	s1 =	sld [smem:$0x3FAD]  }
0x28: {  	s2 =	sld [smem:$0x3FAE]  }
0x29: {  	s4 =	sld [smem:$0x3FB0]  }
0x2a: {  	p0 =	seq.s32 s5, $0x0;
	s5 =	sld [smem:$0x3FB1]  }
0x2b: {  	s6 =	sld [smem:$0x3FB2]  }
0x2c: {  	s7 =	sld [smem:$0x3FB3]  }
0x2d: {  	s3 =	simm.s32 $0x108;
	s8 =	sld [smem:$0x3FB4]  }
0x2e: {  	s3 =	simm.s32 @!p0 $0x1082;
	s9 =	sld [smem:$0x3FB5]  }
0x2f: {  	lr =	sadd.s32 s0, s3;
	s0 =	sld [smem:$0x3FAC]  }
0x30: {  	s3 =	sld [smem:$0x3FAF]  }
0x31: {  	[smem:$0x3FB8] =	sst s10  }
0x32: {  	s10 =	sld [smem:$0x3FB6];
	_ =	sdelay $0x3  }
0x33: {  	p0 =	seq.s32 s10, $0x1;
	s10 =	sld [smem:$0x3FB8];
	_ =	sdelay $0x3  }
0x34: {  	[smem:$0x3FB8] =	sst s10  }
0x35: {  	s10 =	sld [smem:$0x3FB7];
	_ =	sdelay $0x3  }
0x36: {  	p1 =	seq.s32 s10, $0x1;
	s10 =	sld [smem:$0x3FB8];
	_ =	sdelay $0x3  }
0x37: {  	[smem:$0x3FB8] =	sst s10  }
0x38: {  	s10 =	sld [smem:$0x3FB9]  }
0x39: {  	_ = 	snop;
	(pc) =	sbr.ind lr, $3  }
0x3a: {  	_ = 	snop  }
0x3b: {  	_ = 	snop  }
0x3c: {  	p2 =	seq.s32 s10, $0x1;
	s10 =	sld [smem:$0x3FB8]  }
0x3d: {  	_ =	shalt  }
0x3e: {  	_ =	shalt  }
0x3f: {  	_ =	shalt  }
0x40: {  	_ =	shalt  }
0x41: {  	_ =	shalt  }
0x42: {  	_ =	shalt  }
0x43: {  	_ =	shalt  }
0x44: {  	_ =	shalt  }
0x45: {  	_ =	shalt  }
0x46: {  	_ =	shalt  }
0x47: {  	_ =	shalt  }
0x48: {  	_ =	shalt  }
0x49: {  	_ =	shalt  }
0x4a: {  	_ =	shalt  }
0x4b: {  	_ =	shalt  }
0x4c: {  	_ =	shalt  }
0x4d: {  	_ =	shalt  }
0x4e: {  	_ =	shalt  }
0x4f: {  	_ =	shalt  }
0x50: {  	_ =	shalt  }
0x51: {  	_ =	shalt  }
0x52: {  	_ =	shalt  }
0x53: {  	_ =	shalt  }
0x54: {  	_ =	shalt  }
0x55: {  	_ =	shalt  }
0x56: {  	_ =	shalt  }
0x57: {  	_ =	shalt  }
0x58: {  	_ =	shalt  }
0x59: {  	_ =	shalt  }
0x5a: {  	_ =	shalt  }
0x5b: {  	_ =	shalt  }
0x5c: {  	_ =	shalt  }
0x5d: {  	_ =	shalt  }
0x5e: {  	_ =	shalt  }
0x5f: {  	_ =	shalt  }
0x60: {  	_ =	shalt  }
0x61: {  	_ =	shalt  }
0x62: {  	_ =	shalt  }
0x63: {  	_ =	shalt  }
0x64: {  	_ =	shalt  }
0x65: {  	_ =	shalt  }
0x66: {  	_ =	shalt  }
0x67: {  	_ =	shalt  }
0x68: {  	_ =	shalt  }
0x69: {  	_ =	shalt  }
0x6a: {  	_ =	shalt  }
0x6b: {  	_ =	shalt  }
0x6c: {  	_ =	shalt  }
0x6d: {  	_ =	shalt  }
0x6e: {  	_ =	shalt  }
0x6f: {  	_ =	shalt  }
0x70: {  	_ =	shalt  }
0x71: {  	_ =	shalt  }
0x72: {  	_ =	shalt  }
0x73: {  	_ =	shalt  }
0x74: {  	_ =	shalt  }
0x75: {  	_ =	shalt  }
0x76: {  	_ =	shalt  }
0x77: {  	_ =	shalt  }
0x78: {  	_ =	shalt  }
0x79: {  	_ =	shalt  }
0x7a: {  	_ =	shalt  }
0x7b: {  	_ =	shalt  }
0x7c: {  	_ =	shalt  }
0x7d: {  	_ =	shalt  }
0x7e: {  	_ =	shalt  }
0x7f: {  	_ =	shalt  }
0x80: {  	_ =	shalt  }
0x81: {  	_ =	shalt  }
0x82: {  	_ =	shalt  }
0x83: {  	_ =	shalt  }
0x84: {  	_ =	shalt  }
0x85: {  	_ =	shalt  }
0x86: {  	_ =	shalt  }
0x87: {  	_ =	shalt  }
.Lfunc_end0:
.L_simem_size_0:
called_computation_lowered:
.L_overlay_start_0:
0x88: {  	s2 =	sld [smem:$0x3FD9]  }
0x89: {  	s3 =	sld [smem:$0x3FFE];
	_ =	sdelay $0x1  }
0x8a: {  	s1 =	srdreg.scid  }
0x8b: {  	s0 =	sand.u32 $0x1, s1  }
0x8c: {  	s17 =	sshll.u32 s0, $0xA;
	s2 =	sadd.s32 s3, s2  }
0x8d: {  	s2 =	sadd.s32 s2, s17  }
0x8e: {  	[smem:$0x3FC4] =	sst s2  }
0x8f: {  	_ = 	snop  }
0x90: {  	s2 =	sld [smem:$0x3FC6];
	(tm) =	ssettm $0x1  }
0x91: {  	s18 =	sld [smem:$0x3FFB];
	_ =	sdelay $0x3  }
0x92: {  	_ =	strace s18  }
0x93: {  	s3 =	sld [smem:$0x3FFC];
	_ =	sdelay $0x3  }
0x94: {  	_ =	strace s3  }
0x95: {  	s3 =	sld [smem:$0x3FFD];
	_ =	sdelay $0x3  }
0x96: {  	_ =	strace s3  }
0x97: {  	_ =	strace $0x8FFFFFFF  }
0x98: {  	s19 =	sld [smem:$0x3FDB];
	_ =	sdelay $0x1  }
0x99: {  	s4 =	simm.s32 $_scs_section_size  }
0x9a: {  	s5 =	simm.s32 $_size__tile_overlayer_lowered;
	s6 =	simm.s32 $_tile_overlayer_lowered  }
0x9b: {  	s22 =	simm.s32 $0x1BFF;
	s21 =	sshll.u32 s6, $0x1;
	s3 =	sadd.s32 s4, s19  }
0x9c: {  	s7 =	simm.s32 $0x0;
	s20 =	sshll.u32 s5, $0x1;
	s5 =	sadd.s32 s21, s3  }
0x9d: {  	[timem:s7], [sflag:s22] =	dma.local [hbm:s5], s20  }
0x9e: {  	_ =	swait.ge [sflag:s22], s20  }
0x9f: {  	s4 =	ssub.s32 $0x0, s20;
	[sflag:s22] =	ssyncset.done $0x0  }
0xa0: {  	[sflag:s22] =	ssyncadd.s32 s4;
	_ =	sdelay $0x1  }
0xa1: {  	s23 =	simm.s32 $0x1B8B  }
0xa2: {  	_ =	swait.ge [sflag:s23], $0x1  }
0xa3: {  	[sflag:s23] =	ssyncset.done $0x0  }
0xa4: {  	s25 =	simm.s32 $0x1B8E;
	s24 =	sld [smem:$0x3FFE];
	[sflag:s23] =	ssyncadd.s32 $0xFFFFFFFF  }
0xa5: {  	s26 =	simm.s32 $execute0_lowered;
	[smem:$0x3FD2] =	sst s25  }
0xa6: {  	s5 =	sshll.u32 s26, $0x1;
	_ =	strace $0x80000046;
	[dreg:$0x1] =	wrdreg $0xFFFFFFFF  }
0xa7: {  	s28 =	simm.s32 $_size_execute0_lowered;
	s3 =	sadd.s32 s3, s5;
	[dreg:$0x0] =	wrdreg $0x0  }
0xa8: {  	s5 =	sshll.u32 s28, $0x1;
	[dreg:$0x2] =	wrdreg s3  }
0xa9: {  	[dreg:$0x3] =	wrdreg s5  }
0xaa: {  	[dreg:$0x4] =	wrdreg $0xC0  }
0xab: {  	_ =	task [dreg:s7], $0x5FFFF  }
0xac: {  	[dreg:$0x1] =	wrdreg $0xFFFFFFFF  }
0xad: {  	[dreg:$0x0] =	wrdreg $0x60  }
0xae: {  	[dreg:$0x2] =	wrdreg s2  }
0xaf: {  	[dreg:$0x3] =	wrdreg s24  }
0xb0: {  	[dreg:$0x4] =	wrdreg $0x9  }
0xb1: {  	_ =	task.clear_ibuf [dreg:s7], $0x5FFFF;
	_ =	strace $0x90000046  }
0xb2: {  	s29 =	simm.s32 $0x9;
	_ =	strace $0x80000048  }
0xb3: {  	_ =	swait.ge [sflag:s29], $0x1  }
0xb4: {  	[sflag:s29] =	ssyncadd.s32 $0xFFFFFFFF  }
0xb5: {  	_ =	strace $0x90000048  }
0xb6: {  	_ =	sfence  }
0xb7: {  	s30 =	sld [smem:$0x0];
	_ =	sdelay $0x2  }
0xb8: {  	s31 =	sshll.u32 s1, $0xD;
	s1 =	sshrl.u32 s1, $0x2  }
0xb9: {  	s3 =	sand.u32 $0x4000, s31;
	s1 =	sadd.s32 s1, s30  }
0xba: {  	s0 =	sor.u32 s3, s0;
	s1 =	sshll.u32 s1, $0x11  }
0xbb: {  	s0 =	sor.u32 s1, s0  }
0xbc: {  	s0 =	sadd.s32 $0x8F2B, s0  }
0xbd: {  	[sflag:s0] =	ssyncadd.remote.s32 $0x1  }
0xbe: {  	_ =	sfence.sel $0xFFFF  }
0xbf: {  	[dreg:$0x0] =	wrdreg $0xFFFFFFFF;
	(pc) =	sbr.abs _section_cstart, $3  }
0xc0: {  	[dreg:$0x1] =	wrdreg $0xFFFFFFFF  }
0xc1: {  	_ =	task.clear_ibuf [dreg:s7], $0x2FFFF;
	_ =	strace $0x9FFFFFFF  }
0xc2: {  	(tm) =	ssettm $0x7FFFFFFF  }
0xc3: {  	_ =	shalt  }
tec
execute0_lowered:
.L_overlay_start_1:
0x0: {  	(tag) =	ssettag $0x1  }
0x1: {  	s2 =	rddreg [dreg:$0x0];
	s0 =	srdreg.scid  }
0x2: {  	s22 =	rddreg [dreg:$0x1];
	s1 =	stileid.u32;
	s0 =	sand.u32 $0x1, s0  }
0x3: {  	s3 =	simm.s32 $0x0;
	s4 =	sshll.u32 s1, $0x8;
	s5 =	sshll.u32 s0, $0x7  }
0x4: {  	[smem:$0x7FF] =	sst s3;
	s10 =	sadd.s32 $0xC00, s22;
	s30 =	sor.u32 s5, s4  }
0x5: {  	_ =	strace $0x80000047;
	s4 =	sadd.s32 s10, s30;
	s23 =	sor.u32 $0x10, s30  }
0x6: {  	s24 =	sor.u32 $0x20, s30;
	[dreg:$0x3] =	wrdreg s4;
	s9 =	sadd.s32 s10, s23  }
0x7: {  	s25 =	sor.u32 $0x30, s30;
	s11 =	sadd.s32 s10, s24;
	[dreg:$0x4] =	wrdreg s9  }
0x8: {  	s26 =	sor.u32 $0x40, s30;
	s12 =	sadd.s32 s10, s25;
	[dreg:$0x5] =	wrdreg s11  }
0x9: {  	s28 =	sor.u32 $0x50, s30;
	s13 =	sadd.s32 s10, s26;
	[dreg:$0x6] =	wrdreg s12  }
0xa: {  	s14 =	sadd.s32 s10, s28;
	[dreg:$0x7] =	wrdreg s13  }
0xb: {  	s29 =	sor.u32 $0x60, s30;
	[dreg:$0x8] =	wrdreg s14  }
0xc: {  	s15 =	sadd.s32 s10, s29;
	s16 =	rddreg [dreg:$0x3]  }
0xd: {  	[dreg:$0x9] =	wrdreg s15  }
0xe: {  	[tilespmem:s3], [sflag:$0x1] =	stream.linear.gather [hbm4b:s16+s3], $0x80, $0x38;
	[tilespmem:$0x800] =	vst v63  }
0xf: {  	s4 =	simm.s32 $0x80;
	s6 =	rddreg [dreg:$0x4]  }
0x10: {  	[tilespmem:s4], [sflag:$0x1] =	stream.linear.gather [hbm4b:s6+s3], $0x80, $0x38;
	[tilespmem:$0x800] =	vst v63  }
0x11: {  	s17 =	simm.s32 $0x100;
	s7 =	rddreg [dreg:$0x5]  }
0x12: {  	[tilespmem:s17], [sflag:$0x1] =	stream.linear.gather [hbm4b:s7+s3], $0x80, $0x38;
	[tilespmem:$0x800] =	vst v63  }
0x13: {  	s18 =	simm.s32 $0x180;
	s8 =	rddreg [dreg:$0x6]  }
0x14: {  	[tilespmem:s18], [sflag:$0x1] =	stream.linear.gather [hbm4b:s8+s3], $0x80, $0x38;
	[tilespmem:$0x800] =	vst v63  }
0x15: {  	s19 =	simm.s32 $0x200;
	s9 =	rddreg [dreg:$0x7]  }
0x16: {  	[tilespmem:s19], [sflag:$0x1] =	stream.linear.gather [hbm4b:s9+s3], $0x80, $0x38;
	[tilespmem:$0x800] =	vst v63  }
0x17: {  	s20 =	simm.s32 $0x280;
	s11 =	rddreg [dreg:$0x8]  }
0x18: {  	[tilespmem:s20], [sflag:$0x1] =	stream.linear.gather [hbm4b:s11+s3], $0x80, $0x38;
	[tilespmem:$0x800] =	vst v63  }
0x19: {  	s21 =	simm.s32 $0x300;
	s31 =	sor.u32 $0x70, s30;
	s12 =	rddreg [dreg:$0x9]  }
0x1a: {  	[tilespmem:s21], [sflag:$0x1] =	stream.linear.gather [hbm4b:s12+s3], $0x80, $0x38;
	[tilespmem:$0x800] =	vst v63  }
0x1b: {  	s10 =	sadd.s32 s10, s31;
	s11 =	simm.s32 $0x380;
	s12 =	simm.s32 $0x1  }
0x1c: {  	[tilespmem:s11], [sflag:$0x1] =	stream.linear.gather [hbm4b:s10+s3], $0x80, $0x38;
	[tilespmem:$0x800] =	vst v63  }
0x1d: {  	_ =	swait.ge [sflag:s12], $0x80  }
0x1e: {  	[sflag:s12] =	ssyncset.done $0x0  }
0x1f: {  	s13 =	simm.s32 $0x400;
	[sflag:s12] =	ssyncadd.s32 $0xFFFFFF80  }
0x20: {  	[tilespmem:s13], [sflag:$0x2] =	stream.indirect.gather [hbm4b:s2+s4], $0x1, s3, s4, $0xb8;
	[tilespmem:$0x800] =	vst v63  }
0x21: {  	_ =	swait.ge [sflag:s12], $0x80  }
0x22: {  	[sflag:s12] =	ssyncset.done $0x0  }
0x23: {  	s14 =	simm.s32 $0x480;
	[sflag:s12] =	ssyncadd.s32 $0xFFFFFF80  }
0x24: {  	[tilespmem:s14], [sflag:$0x2] =	stream.indirect.gather [hbm4b:s2+s4], $0x1, s4, s4, $0xb8;
	[tilespmem:$0x800] =	vst v63  }
0x25: {  	_ =	swait.ge [sflag:s12], $0x80  }
0x26: {  	[sflag:s12] =	ssyncset.done $0x0  }
0x27: {  	s15 =	simm.s32 $0x500;
	[sflag:s12] =	ssyncadd.s32 $0xFFFFFF80  }
0x28: {  	[tilespmem:s15], [sflag:$0x2] =	stream.indirect.gather [hbm4b:s2+s4], $0x1, s17, s4, $0xb8;
	[tilespmem:$0x800] =	vst v63  }
0x29: {  	_ =	swait.ge [sflag:s12], $0x80  }
0x2a: {  	[sflag:s12] =	ssyncset.done $0x0  }
0x2b: {  	s16 =	simm.s32 $0x580;
	[sflag:s12] =	ssyncadd.s32 $0xFFFFFF80  }
0x2c: {  	[tilespmem:s16], [sflag:$0x2] =	stream.indirect.gather [hbm4b:s2+s4], $0x1, s18, s4, $0xb8;
	[tilespmem:$0x800] =	vst v63  }
0x2d: {  	_ =	swait.ge [sflag:s12], $0x80  }
0x2e: {  	[sflag:s12] =	ssyncset.done $0x0  }
0x2f: {  	s17 =	simm.s32 $0x600;
	[sflag:s12] =	ssyncadd.s32 $0xFFFFFF80  }
0x30: {  	[tilespmem:s17], [sflag:$0x2] =	stream.indirect.gather [hbm4b:s2+s4], $0x1, s19, s4, $0xb8;
	[tilespmem:$0x800] =	vst v63  }
0x31: {  	_ =	swait.ge [sflag:s12], $0x80  }
0x32: {  	[sflag:s12] =	ssyncset.done $0x0  }
0x33: {  	s18 =	simm.s32 $0x680;
	[sflag:s12] =	ssyncadd.s32 $0xFFFFFF80  }
0x34: {  	[tilespmem:s18], [sflag:$0x2] =	stream.indirect.gather [hbm4b:s2+s4], $0x1, s20, s4, $0xb8;
	[tilespmem:$0x800] =	vst v63  }
0x35: {  	_ =	swait.ge [sflag:s12], $0x80  }
0x36: {  	[sflag:s12] =	ssyncset.done $0x0  }
0x37: {  	s19 =	simm.s32 $0x700;
	[sflag:s12] =	ssyncadd.s32 $0xFFFFFF80  }
0x38: {  	[tilespmem:s19], [sflag:$0x2] =	stream.indirect.gather [hbm4b:s2+s4], $0x1, s21, s4, $0xb8;
	[tilespmem:$0x800] =	vst v63  }
0x39: {  	_ =	swait.ge [sflag:s12], $0x80  }
0x3a: {  	[sflag:s12] =	ssyncset.done $0x0  }
0x3b: {  	s20 =	simm.s32 $0x780;
	s21 =	simm.s32 $0x2;
	[sflag:s12] =	ssyncadd.s32 $0xFFFFFF80  }
0x3c: {  	[tilespmem:s20], [sflag:$0x2] =	stream.indirect.gather [hbm4b:s2+s4], $0x1, s11, s4, $0xb8;
	[tilespmem:$0x800] =	vst v63  }
0x3d: {  	_ =	swait.ge [sflag:s21], $0x80  }
0x3e: {  	s8 =	sadd.s32 $0x1C00, s22;
	[sflag:s21] =	ssyncset.done $0x0  }
0x3f: {  	s22 =	sadd.s32 s8, s30;
	[sflag:s21] =	ssyncadd.s32 $0xFFFFFF80  }
0x40: {  	[hbm4b:s22+s3] =	stream.linear.scatter [tilespmem:s13], [sflag:$0x3], $0x80, $0x38;
	[tilespmem:$0x800] =	vst v63  }
0x41: {  	_ =	swait.ge [sflag:s21], $0x80  }
0x42: {  	[sflag:s21] =	ssyncset.done $0x0  }
0x43: {  	s23 =	sadd.s32 s8, s23;
	[sflag:s21] =	ssyncadd.s32 $0xFFFFFF80  }
0x44: {  	[hbm4b:s23+s3] =	stream.linear.scatter [tilespmem:s14], [sflag:$0x3], $0x80, $0x38;
	[tilespmem:$0x800] =	vst v63  }
0x45: {  	_ =	swait.ge [sflag:s21], $0x80  }
0x46: {  	[sflag:s21] =	ssyncset.done $0x0  }
0x47: {  	s24 =	sadd.s32 s8, s24;
	[sflag:s21] =	ssyncadd.s32 $0xFFFFFF80  }
0x48: {  	[hbm4b:s24+s3] =	stream.linear.scatter [tilespmem:s15], [sflag:$0x3], $0x80, $0x38;
	[tilespmem:$0x800] =	vst v63  }
0x49: {  	_ =	swait.ge [sflag:s21], $0x80  }
0x4a: {  	[sflag:s21] =	ssyncset.done $0x0  }
0x4b: {  	s25 =	sadd.s32 s8, s25;
	[sflag:s21] =	ssyncadd.s32 $0xFFFFFF80  }
0x4c: {  	[hbm4b:s25+s3] =	stream.linear.scatter [tilespmem:s16], [sflag:$0x3], $0x80, $0x38;
	[tilespmem:$0x800] =	vst v63  }
0x4d: {  	_ =	swait.ge [sflag:s21], $0x80  }
0x4e: {  	[sflag:s21] =	ssyncset.done $0x0  }
0x4f: {  	s26 =	sadd.s32 s8, s26;
	[sflag:s21] =	ssyncadd.s32 $0xFFFFFF80  }
0x50: {  	[hbm4b:s26+s3] =	stream.linear.scatter [tilespmem:s17], [sflag:$0x3], $0x80, $0x38;
	[tilespmem:$0x800] =	vst v63  }
0x51: {  	_ =	swait.ge [sflag:s21], $0x80  }
0x52: {  	[sflag:s21] =	ssyncset.done $0x0  }
0x53: {  	s28 =	sadd.s32 s8, s28;
	[sflag:s21] =	ssyncadd.s32 $0xFFFFFF80  }
0x54: {  	[hbm4b:s28+s3] =	stream.linear.scatter [tilespmem:s18], [sflag:$0x3], $0x80, $0x38;
	[tilespmem:$0x800] =	vst v63  }
0x55: {  	_ =	swait.ge [sflag:s21], $0x80  }
0x56: {  	[sflag:s21] =	ssyncset.done $0x0  }
0x57: {  	s29 =	sadd.s32 s8, s29;
	[sflag:s21] =	ssyncadd.s32 $0xFFFFFF80  }
0x58: {  	[hbm4b:s29+s3] =	stream.linear.scatter [tilespmem:s19], [sflag:$0x3], $0x80, $0x38;
	[tilespmem:$0x800] =	vst v63  }
0x59: {  	_ =	swait.ge [sflag:s21], $0x80  }
0x5a: {  	[sflag:s21] =	ssyncset.done $0x0  }
0x5b: {  	s30 =	sadd.s32 s8, s31;
	s31 =	simm.s32 $0x3;
	[sflag:s21] =	ssyncadd.s32 $0xFFFFFF80  }
0x5c: {  	[hbm4b:s30+s3] =	stream.linear.scatter [tilespmem:s20], [sflag:$0x3], $0x80, $0x38;
	[tilespmem:$0x800] =	vst v63  }
0x5d: {  	_ =	swait.ge [sflag:s31], $0x80  }
0x5e: {  	[sflag:s31] =	ssyncset.done $0x0  }
0x5f: {  	[sflag:s31] =	ssyncadd.s32 $0xFFFFFF80  }
0x60: {  	_ =	swait.ge [sflag:s31], $0x80  }
0x61: {  	[sflag:s31] =	ssyncset.done $0x0  }
0x62: {  	[sflag:s31] =	ssyncadd.s32 $0xFFFFFF80  }
0x63: {  	_ =	swait.ge [sflag:s31], $0x80  }
0x64: {  	[sflag:s31] =	ssyncset.done $0x0  }
0x65: {  	[sflag:s31] =	ssyncadd.s32 $0xFFFFFF80  }
0x66: {  	_ =	swait.ge [sflag:s31], $0x80  }
0x67: {  	[sflag:s31] =	ssyncset.done $0x0  }
0x68: {  	[sflag:s31] =	ssyncadd.s32 $0xFFFFFF80  }
0x69: {  	s0 =	ssub.s32 $0x2, s0;
	_ =	swait.ge [sflag:s31], $0x80  }
0x6a: {  	s9 =	sshrl.u32 s0, $0x1;
	[sflag:s31] =	ssyncset.done $0x0  }
0x6b: {  	s0 =	ssub.s32 s0, s9;
	[sflag:s31] =	ssyncadd.s32 $0xFFFFFF80  }
0x6c: {  	s0 =	smax.u32 s0, $0x1;
	_ =	swait.ge [sflag:s31], $0x80  }
0x6d: {  	p0 =	sne.s32 s0, $0x1;
	[sflag:s31] =	ssyncset.done $0x0  }
.Ltmp0:
0x6e: {  	[sflag:s31] =	ssyncadd.s32 $0xFFFFFF80;
	(pc) =	sbr.rel @!p0 .LBB2_3-.Ltmp0, $4  }
0x6f: {  	_ =	swait.ge [sflag:s31], $0x80  }
0x70: {  	[sflag:s31] =	ssyncset.done $0x0  }
0x71: {  	[sflag:s31] =	ssyncadd.s32 $0xFFFFFF80  }
0x72: {  	s0 =	sadd.s32 $0xFFFFFFFF, s0;
	_ =	swait.ge [sflag:s31], $0x80  }
0x73: {  	s6 =	simm.s32 $0x100  }
0x74: {  	s7 =	simm.s32 $0x180;
	s8 =	simm.s32 $0x200;
	s9 =	simm.s32 $0x280  }
.LBB2_2:
0x75: {  	[sflag:s31] =	ssyncset.done $0x0  }
0x76: {  	s1 =	rddreg [dreg:$0x3];
	[sflag:s31] =	ssyncadd.s32 $0xFFFFFF80  }
0x77: {  	[tilespmem:s3], [sflag:$0x1] =	stream.linear.gather [hbm4b:s1+s3], $0x80, $0x38;
	[tilespmem:$0x800] =	vst v63  }
0x78: {  	s5 =	rddreg [dreg:$0x4]  }
0x79: {  	[tilespmem:s4], [sflag:$0x1] =	stream.linear.gather [hbm4b:s5+s3], $0x80, $0x38;
	[tilespmem:$0x800] =	vst v63  }
0x7a: {  	s1 =	rddreg [dreg:$0x5]  }
0x7b: {  	[tilespmem:s6], [sflag:$0x1] =	stream.linear.gather [hbm4b:s1+s3], $0x80, $0x38;
	[tilespmem:$0x800] =	vst v63  }
0x7c: {  	s5 =	rddreg [dreg:$0x6]  }
0x7d: {  	[tilespmem:s7], [sflag:$0x1] =	stream.linear.gather [hbm4b:s5+s3], $0x80, $0x38;
	[tilespmem:$0x800] =	vst v63  }
0x7e: {  	s1 =	rddreg [dreg:$0x7]  }
0x7f: {  	[tilespmem:s8], [sflag:$0x1] =	stream.linear.gather [hbm4b:s1+s3], $0x80, $0x38;
	[tilespmem:$0x800] =	vst v63  }
0x80: {  	s5 =	rddreg [dreg:$0x8]  }
0x81: {  	[tilespmem:s9], [sflag:$0x1] =	stream.linear.gather [hbm4b:s5+s3], $0x80, $0x38;
	[tilespmem:$0x800] =	vst v63  }
0x82: {  	s1 =	rddreg [dreg:$0x9];
	s5 =	simm.s32 $0x300  }
0x83: {  	[tilespmem:s5], [sflag:$0x1] =	stream.linear.gather [hbm4b:s1+s3], $0x80, $0x38;
	[tilespmem:$0x800] =	vst v63  }
0x84: {  	_ = 	snop  }
0x85: {  	[tilespmem:s11], [sflag:$0x1] =	stream.linear.gather [hbm4b:s10+s3], $0x80, $0x38;
	[tilespmem:$0x800] =	vst v63  }
0x86: {  	_ =	swait.ge [sflag:s12], $0x80  }
0x87: {  	[sflag:s12] =	ssyncset.done $0x0  }
0x88: {  	[sflag:s12] =	ssyncadd.s32 $0xFFFFFF80  }
0x89: {  	[tilespmem:s13], [sflag:$0x2] =	stream.indirect.gather [hbm4b:s2+s4], $0x1, s3, s4, $0xb8;
	[tilespmem:$0x800] =	vst v63  }
0x8a: {  	_ =	swait.ge [sflag:s12], $0x80  }
0x8b: {  	[sflag:s12] =	ssyncset.done $0x0  }
0x8c: {  	[sflag:s12] =	ssyncadd.s32 $0xFFFFFF80  }
0x8d: {  	[tilespmem:s14], [sflag:$0x2] =	stream.indirect.gather [hbm4b:s2+s4], $0x1, s4, s4, $0xb8;
	[tilespmem:$0x800] =	vst v63  }
0x8e: {  	_ =	swait.ge [sflag:s12], $0x80  }
0x8f: {  	[sflag:s12] =	ssyncset.done $0x0  }
0x90: {  	[sflag:s12] =	ssyncadd.s32 $0xFFFFFF80  }
0x91: {  	[tilespmem:s15], [sflag:$0x2] =	stream.indirect.gather [hbm4b:s2+s4], $0x1, s6, s4, $0xb8;
	[tilespmem:$0x800] =	vst v63  }
0x92: {  	_ =	swait.ge [sflag:s12], $0x80  }
0x93: {  	[sflag:s12] =	ssyncset.done $0x0  }
0x94: {  	[sflag:s12] =	ssyncadd.s32 $0xFFFFFF80  }
0x95: {  	[tilespmem:s16], [sflag:$0x2] =	stream.indirect.gather [hbm4b:s2+s4], $0x1, s7, s4, $0xb8;
	[tilespmem:$0x800] =	vst v63  }
0x96: {  	_ =	swait.ge [sflag:s12], $0x80  }
0x97: {  	[sflag:s12] =	ssyncset.done $0x0  }
0x98: {  	[sflag:s12] =	ssyncadd.s32 $0xFFFFFF80  }
0x99: {  	[tilespmem:s17], [sflag:$0x2] =	stream.indirect.gather [hbm4b:s2+s4], $0x1, s8, s4, $0xb8;
	[tilespmem:$0x800] =	vst v63  }
0x9a: {  	_ =	swait.ge [sflag:s12], $0x80  }
0x9b: {  	[sflag:s12] =	ssyncset.done $0x0  }
0x9c: {  	[sflag:s12] =	ssyncadd.s32 $0xFFFFFF80  }
0x9d: {  	[tilespmem:s18], [sflag:$0x2] =	stream.indirect.gather [hbm4b:s2+s4], $0x1, s9, s4, $0xb8;
	[tilespmem:$0x800] =	vst v63  }
0x9e: {  	_ =	swait.ge [sflag:s12], $0x80  }
0x9f: {  	[sflag:s12] =	ssyncset.done $0x0  }
0xa0: {  	[sflag:s12] =	ssyncadd.s32 $0xFFFFFF80  }
0xa1: {  	[tilespmem:s19], [sflag:$0x2] =	stream.indirect.gather [hbm4b:s2+s4], $0x1, s5, s4, $0xb8;
	[tilespmem:$0x800] =	vst v63  }
0xa2: {  	_ =	swait.ge [sflag:s12], $0x80  }
0xa3: {  	[sflag:s12] =	ssyncset.done $0x0  }
0xa4: {  	[sflag:s12] =	ssyncadd.s32 $0xFFFFFF80  }
0xa5: {  	[tilespmem:s20], [sflag:$0x2] =	stream.indirect.gather [hbm4b:s2+s4], $0x1, s11, s4, $0xb8;
	[tilespmem:$0x800] =	vst v63  }
0xa6: {  	_ =	swait.ge [sflag:s21], $0x80  }
0xa7: {  	[sflag:s21] =	ssyncset.done $0x0  }
0xa8: {  	[sflag:s21] =	ssyncadd.s32 $0xFFFFFF80  }
0xa9: {  	[hbm4b:s22+s3] =	stream.linear.scatter [tilespmem:s13], [sflag:$0x3], $0x80, $0x38;
	[tilespmem:$0x800] =	vst v63  }
0xaa: {  	_ =	swait.ge [sflag:s21], $0x80  }
0xab: {  	[sflag:s21] =	ssyncset.done $0x0  }
0xac: {  	[sflag:s21] =	ssyncadd.s32 $0xFFFFFF80  }
0xad: {  	[hbm4b:s23+s3] =	stream.linear.scatter [tilespmem:s14], [sflag:$0x3], $0x80, $0x38;
	[tilespmem:$0x800] =	vst v63  }
0xae: {  	_ =	swait.ge [sflag:s21], $0x80  }
0xaf: {  	[sflag:s21] =	ssyncset.done $0x0  }
0xb0: {  	[sflag:s21] =	ssyncadd.s32 $0xFFFFFF80  }
0xb1: {  	[hbm4b:s24+s3] =	stream.linear.scatter [tilespmem:s15], [sflag:$0x3], $0x80, $0x38;
	[tilespmem:$0x800] =	vst v63  }
0xb2: {  	_ =	swait.ge [sflag:s21], $0x80  }
0xb3: {  	[sflag:s21] =	ssyncset.done $0x0  }
0xb4: {  	[sflag:s21] =	ssyncadd.s32 $0xFFFFFF80  }
0xb5: {  	[hbm4b:s25+s3] =	stream.linear.scatter [tilespmem:s16], [sflag:$0x3], $0x80, $0x38;
	[tilespmem:$0x800] =	vst v63  }
0xb6: {  	_ =	swait.ge [sflag:s21], $0x80  }
0xb7: {  	[sflag:s21] =	ssyncset.done $0x0  }
0xb8: {  	[sflag:s21] =	ssyncadd.s32 $0xFFFFFF80  }
0xb9: {  	[hbm4b:s26+s3] =	stream.linear.scatter [tilespmem:s17], [sflag:$0x3], $0x80, $0x38;
	[tilespmem:$0x800] =	vst v63  }
0xba: {  	_ =	swait.ge [sflag:s21], $0x80  }
0xbb: {  	[sflag:s21] =	ssyncset.done $0x0  }
0xbc: {  	[sflag:s21] =	ssyncadd.s32 $0xFFFFFF80  }
0xbd: {  	[hbm4b:s28+s3] =	stream.linear.scatter [tilespmem:s18], [sflag:$0x3], $0x80, $0x38;
	[tilespmem:$0x800] =	vst v63  }
0xbe: {  	_ =	swait.ge [sflag:s21], $0x80  }
0xbf: {  	[sflag:s21] =	ssyncset.done $0x0  }
0xc0: {  	[sflag:s21] =	ssyncadd.s32 $0xFFFFFF80  }
0xc1: {  	[hbm4b:s29+s3] =	stream.linear.scatter [tilespmem:s19], [sflag:$0x3], $0x80, $0x38;
	[tilespmem:$0x800] =	vst v63  }
0xc2: {  	_ =	swait.ge [sflag:s21], $0x80  }
0xc3: {  	[sflag:s21] =	ssyncset.done $0x0  }
0xc4: {  	[sflag:s21] =	ssyncadd.s32 $0xFFFFFF80  }
0xc5: {  	[hbm4b:s30+s3] =	stream.linear.scatter [tilespmem:s20], [sflag:$0x3], $0x80, $0x38;
	[tilespmem:$0x800] =	vst v63  }
0xc6: {  	_ =	swait.ge [sflag:s31], $0x80  }
0xc7: {  	[sflag:s31] =	ssyncset.done $0x0  }
0xc8: {  	[sflag:s31] =	ssyncadd.s32 $0xFFFFFF80  }
0xc9: {  	_ =	swait.ge [sflag:s31], $0x80  }
0xca: {  	[sflag:s31] =	ssyncset.done $0x0  }
0xcb: {  	[sflag:s31] =	ssyncadd.s32 $0xFFFFFF80  }
0xcc: {  	_ =	swait.ge [sflag:s31], $0x80  }
0xcd: {  	[sflag:s31] =	ssyncset.done $0x0  }
0xce: {  	[sflag:s31] =	ssyncadd.s32 $0xFFFFFF80  }
0xcf: {  	_ =	swait.ge [sflag:s31], $0x80  }
0xd0: {  	[sflag:s31] =	ssyncset.done $0x0  }
0xd1: {  	[sflag:s31] =	ssyncadd.s32 $0xFFFFFF80  }
0xd2: {  	_ =	swait.ge [sflag:s31], $0x80  }
0xd3: {  	[sflag:s31] =	ssyncset.done $0x0  }
0xd4: {  	[sflag:s31] =	ssyncadd.s32 $0xFFFFFF80  }
0xd5: {  	_ =	swait.ge [sflag:s31], $0x80  }
0xd6: {  	p0 =	sne.s32 s0, $0x1;
	[sflag:s31] =	ssyncset.done $0x0  }
.Ltmp1:
0xd7: {  	[sflag:s31] =	ssyncadd.s32 $0xFFFFFF80;
	(pc) =	sbr.rel @p0 .LBB2_2-.Ltmp1, $4  }
0xd8: {  	_ =	swait.ge [sflag:s31], $0x80  }
0xd9: {  	[sflag:s31] =	ssyncset.done $0x0  }
0xda: {  	[sflag:s31] =	ssyncadd.s32 $0xFFFFFF80  }
0xdb: {  	s0 =	sadd.s32 $0xFFFFFFFF, s0;
	_ =	swait.ge [sflag:s31], $0x80  }
.LBB2_3:
0xdc: {  	[sflag:s31] =	ssyncset.done $0x0  }
0xdd: {  	[sflag:s31] =	ssyncadd.s32 $0xFFFFFF80  }
0xde: {  	_ =	sfence.sel $0x180000  }
0xdf: {  	[bflag:$0x0] =	sbarrier.arrive $0xFFFF  }
0xe0: {  	_ =	strace $0x90000047  }
0xe1: {  	s0 =	stileid.u32;
	[bflag:$0x2] =	sbarrier.arrive $0xFFFF  }
0xe2: {  	p0 =	sne.s32 s0, $0x0;
	s0 =	rddreg [dreg:$0x2]  }
0xe3: {  	s0 =	sadd.s32 @!p0 $0x100000, s0  }
0xe4: {  	[sflag:s0] =	ssyncadd.tile.s32 @!p0 $0x1;
	_ =	shalt  }
.Lfunc_end2:
_tile_overlayer_lowered:
.L_overlay_start_2:
0xe5: {  	(tag) =	ssettag $0x2  }
0xe6: {  	s0 =	rddreg [dreg:$0x0];
	s2 =	stileid.u32  }
0xe7: {  	s1 =	rddreg [dreg:$0x1];
	p0 =	sne.s32 s2, $0x0  }
0xe8: {  	s3 =	rddreg [dreg:$0x2];
	[bflag:$0x3] =	sbarrier.arrive $0xFFFF;
	s2 =	simm.s32 @!p0 $0x1C04  }
0xe9: {  	[timem:s3], [sflag:s2] =	dma.local @!p0 [hbm:s0], s1  }
0xea: {  	s0 =	simm.s32 @!p0 $0x4  }
0xeb: {  	_ =	swait.ge @!p0 [sflag:s0], s1  }
0xec: {  	s1 =	ssub.s32 @!p0 $0x0, s1;
	[sflag:s0] =	ssyncset.done @!p0 $0x0  }
0xed: {  	[sflag:s0] =	ssyncadd.s32 @!p0 s1  }
0xee: {  	[bflag:$0x3] =	sbarrier.arrive $0xFFFF  }
0xef: {  	_ =	shalt  }

</sc_bundles>
